<compile_context>
chip_gen: v7x
topology: tpu7x:2x2x1
jax: 0.10.2.dev20260603
libtpu: 0.0.44.dev20260713+nightly
codegen_flags: <defaults>
</compile_context>

<pallas_src>
import functools

import jax
import jax.numpy as jnp
from jax import lax
from jax.experimental import pallas as pl
from jax.experimental.pallas import tpu as pltpu
from jax.experimental.pallas import tpu_sc as plsc

_NC = 2
_NS = 16
_NW = _NC * _NS
_LANE = 16


def _split_chunks(L):
  chunks = []
  rem = L
  while rem > 0:
    c = min(128, rem)
    if rem - c != 0 and (rem - c) % 8 != 0:
      c -= (c % 8) or 0
    chunks.append(c)
    rem -= c
  assert sum(chunks) == L
  return chunks


@functools.partial(jax.jit, static_argnames=("B", "L", "V", "D"))
def _sc_pool(x_flat, table, *, B, L, V, D):
  rows_per_w = B // _NW
  groups = D // _LANE
  chunks = _split_chunks(L)
  offs = [sum(chunks[:i]) for i in range(len(chunks))]
  n = len(chunks)
  mesh = plsc.VectorSubcoreMesh(
      core_axis_name="c", subcore_axis_name="s",
      num_cores=_NC, num_subcores=_NS)

  DP = 128
  scratch = (
      [pltpu.VMEM((rows_per_w * L,), jnp.int32)]
      + [pltpu.VMEM((c, D), jnp.float32) for c in chunks]
      + [pltpu.VMEM((c, D), jnp.float32) for c in chunks]
      + [pltpu.VMEM((rows_per_w, DP), jnp.float32),
         pltpu.SemaphoreType.DMA, pltpu.SemaphoreType.DMA]
  )

  @functools.partial(
      pl.kernel,
      out_type=jax.ShapeDtypeStruct((B, DP), jnp.float32),
      mesh=mesh,
      scratch_types=scratch,
      compiler_params=pltpu.CompilerParams(use_tc_tiling_on_sc=False),
  )
  def pool_kernel(x_hbm, tab_hbm, out_hbm, *rest):
    idx_all = rest[0]
    row_bufs = (rest[1:1 + n], rest[1 + n:1 + 2 * n])
    pool_v = rest[1 + 2 * n]
    sems = (rest[2 + 2 * n], rest[3 + 2 * n])

    wid = lax.axis_index("s") * _NC + lax.axis_index("c")
    base_row = wid * rows_per_w
    inv = jnp.float32(1.0 / L)

    pltpu.sync_copy(x_hbm.at[pl.ds(base_row * L, rows_per_w * L)], idx_all)

    def fire(r, s):
      for i in range(n):
        pltpu.async_copy(
            tab_hbm.at[idx_all.at[pl.ds(r * L + offs[i], chunks[i])]],
            row_bufs[s][i], sems[s])

    def drain(s):
      for i in range(n):
        pltpu.make_async_copy(
            tab_hbm.at[idx_all.at[pl.ds(offs[i], chunks[i])]],
            row_bufs[s][i], sems[s]).wait()

    fire(0, 0)
    fire(1, 1)

    @pl.loop(0, rows_per_w)
    def _row(r):
      s = lax.rem(r, 2)

      @pl.when(s == 0)
      def _():
        drain(0)

      @pl.when(s == 1)
      def _():
        drain(1)

      def accum_from(slot):
        accs = tuple(jnp.zeros((_LANE,), jnp.float32) for _ in range(groups))
        for i in range(n):
          buf = row_bufs[slot][i]

          def body(j, accs, buf=buf):
            return tuple(a + buf[j, pl.ds(_LANE * k, _LANE)]
                         for k, a in enumerate(accs))

          accs = lax.fori_loop(0, chunks[i], body, accs, unroll=4)
        return accs

      @pl.when(s == 0)
      def _():
        accs = accum_from(0)
        for k in range(groups):
          pool_v[r, pl.ds(_LANE * k, _LANE)] = accs[k] * inv

      @pl.when(s == 1)
      def _():
        accs = accum_from(1)
        for k in range(groups):
          pool_v[r, pl.ds(_LANE * k, _LANE)] = accs[k] * inv

      zero = jnp.zeros((_LANE,), jnp.float32)
      for k in range(groups, DP // _LANE):
        pool_v[r, pl.ds(_LANE * k, _LANE)] = zero

      @pl.when(r + 2 < rows_per_w)
      def _():
        @pl.when(s == 0)
        def _():
          fire(r + 2, 0)

        @pl.when(s == 1)
        def _():
          fire(r + 2, 1)

    pltpu.sync_copy(pool_v, out_hbm.at[pl.ds(base_row, rows_per_w)])

  return pool_kernel(x_flat, table)


@functools.partial(jax.jit, static_argnames=("B", "L", "D"))
def _sc_noop(x_flat, *, B, L, D):
  rows_per_w = B // _NW
  mesh = plsc.VectorSubcoreMesh(
      core_axis_name="c", subcore_axis_name="s",
      num_cores=_NC, num_subcores=_NS)

  @functools.partial(
      pl.kernel,
      out_type=jax.ShapeDtypeStruct((B, D), jnp.float32),
      mesh=mesh,
      scratch_types=[pltpu.VMEM((rows_per_w * L,), jnp.int32),
                     pltpu.VMEM((rows_per_w, D), jnp.float32)],
      compiler_params=pltpu.CompilerParams(use_tc_tiling_on_sc=False),
  )
  def noop_kernel(x_hbm, out_hbm, idx_all, pool_v):
    wid = lax.axis_index("s") * _NC + lax.axis_index("c")
    base_row = wid * rows_per_w
    pltpu.sync_copy(x_hbm.at[pl.ds(base_row * L, rows_per_w * L)], idx_all)
    for k in range(D // _LANE):
      pool_v[0, pl.ds(_LANE * k, _LANE)] = (
          idx_all[pl.ds(_LANE * k, _LANE)].astype(jnp.float32))
    pltpu.sync_copy(pool_v, out_hbm.at[pl.ds(base_row, rows_per_w)])

  return noop_kernel(x_flat)


def _mm_body(p_ref, w_ref, b_ref, o_ref):
  kdim = w_ref.shape[0]
  o_ref[...] = (
      jnp.dot(p_ref[:, :kdim], w_ref[...], preferred_element_type=jnp.float32)
      + b_ref[...])


def _wr_body(b_ref, o_ref):
  o_ref[...] = jnp.broadcast_to(b_ref[...], o_ref.shape)


@functools.partial(jax.jit, static_argnames=("B", "ncol"))
def _tc_writeonly(b2, *, B, ncol):
  V = b2.shape[1]
  grid = (pl.cdiv(V, ncol),)
  return pl.pallas_call(
      _wr_body,
      grid=grid,
      in_specs=[pl.BlockSpec((1, ncol), lambda n: (0, n))],
      out_specs=pl.BlockSpec((B, ncol), lambda n: (0, n)),
      out_shape=jax.ShapeDtypeStruct((B, V), jnp.float32),
      compiler_params=pltpu.CompilerParams(
          dimension_semantics=("arbitrary",)),
  )(b2)


@functools.partial(jax.jit, static_argnames=("ncol",))
def _tc_matmul(pooled, W, b2, *, ncol):
  B, DP = pooled.shape
  D, V = W.shape
  grid = (pl.cdiv(V, ncol),)
  return pl.pallas_call(
      _mm_body,
      grid=grid,
      in_specs=[
          pl.BlockSpec((B, DP), lambda n: (0, 0)),
          pl.BlockSpec((D, ncol), lambda n: (0, n)),
          pl.BlockSpec((1, ncol), lambda n: (0, n)),
      ],
      out_specs=pl.BlockSpec((B, ncol), lambda n: (0, n)),
      out_shape=jax.ShapeDtypeStruct((B, V), jnp.float32),
      compiler_params=pltpu.CompilerParams(
          dimension_semantics=("arbitrary",)),
  )(pooled, W, b2)


def kernel(x, emb_table, W, b):
  B, L = x.shape
  V, D = emb_table.shape
  x_flat = x.reshape(B * L).astype(jnp.int32)
  pooled = _sc_pool(x_flat, emb_table, B=B, L=L, V=V, D=D)
  logits = _tc_matmul(pooled, W, b.reshape(1, V), ncol=4096)
  return logits

# --- scband reference (transcript-rebuilt; emitter-appended) ---
"""Pipeline reference for scband-simple-llm-65644280152225 (READ-ONLY COPY).

The authoritative reference and input builder live on the scoring server;
editing this copy changes nothing except your own understanding.
"""

import jax, jax.numpy as jnp
import numpy as np

VOCAB = 100000
EMBED = 64
B = 1024
L = 200

def setup_inputs(seed: int = 0) -> dict:
    key = jax.random.key(seed)
    k1, k2, k3, k4 = jax.random.split(key, 4)
    x = jax.random.randint(k1, (B, L), 0, VOCAB, dtype=jnp.int64 if jax.config.read('jax_enable_x64') else jnp.int32)
    emb_table = jax.random.normal(k2, (VOCAB, EMBED), dtype=jnp.float32) * 0.02
    W = jax.random.normal(k3, (EMBED, VOCAB), dtype=jnp.float32) * (1.0 / np.sqrt(EMBED))
    b = jnp.zeros((VOCAB,), dtype=jnp.float32)
    return {"x": x, "emb_table": emb_table, "W": W, "b": b}

def reference(x, emb_table, W, b):
    # embedding lookup: gather rows of emb_table
    embedded = jnp.take(emb_table, x, axis=0)          # [B, L, D]
    # mean-pool over sequence dim (embedded has rank 3)
    pooled = jnp.mean(embedded, axis=1)                # [B, D]
    # output projection to vocab logits
    logits = pooled @ W + b                            # [B, VOCAB]
    return logits

if __name__ == "__main__":
    import jax
    _d = setup_inputs()
    print(jax.jit(kernel)(*tuple(_d.values())))

</pallas_src>

<mosaic_0001>
#map = affine_map<(d0, d1) -> (0)>
#map1 = affine_map<(d0, d1) -> (0, 0)>
module attributes {stable_mosaic.version = 14 : i64} {
  func.func @pool_kernel(%arg0: i32, %arg1: i32, %arg2: memref<204800xi32, #tpu.memory_space<hbm>>, %arg3: memref<100000x64xf32, #tpu.memory_space<hbm>>, %arg4: memref<1024x128xf32, #tpu.memory_space<hbm>>, %arg5: memref<6400xi32, #tpu.memory_space<vmem>>, %arg6: memref<128x64xf32, #tpu.memory_space<vmem>>, %arg7: memref<72x64xf32, #tpu.memory_space<vmem>>, %arg8: memref<128x64xf32, #tpu.memory_space<vmem>>, %arg9: memref<72x64xf32, #tpu.memory_space<vmem>>, %arg10: memref<32x128xf32, #tpu.memory_space<vmem>>, %arg11: memref<!tpu.dma_semaphore, #tpu.memory_space<semaphore_mem>>, %arg12: memref<!tpu.dma_semaphore, #tpu.memory_space<semaphore_mem>>) attributes {dimension_semantics = [#tpu.dimension_semantics<core_parallel>, #tpu.dimension_semantics<subcore_parallel>], iteration_bounds = array<i64: 2, 16>, scalar_prefetch = 0 : i64, scratch_operands = 8 : i64, tpu.core_type = #tpu.core_type<sc_vector_subcore>, window_params = [{transform_indices = #map}, {transform_indices = #map1}, {transform_indices = #map1}]} {
    %mul3A = arith.constant 2 : i32
    %mul3A_0 = arith.muli %arg1, %mul3A : i32
    %add3A = arith.addi %mul3A_0, %arg0 : i32
    %mul3A_1 = arith.constant 32 : i32
    %mul3A_2 = arith.muli %add3A, %mul3A_1 : i32
    %mul3A_3 = arith.constant 200 : i32
    %mul3A_4 = arith.muli %mul3A_2, %mul3A_3 : i32
    "tpu.region"() ({
      %run_scoped3A = tpu.sem_alloc : memref<!tpu.dma_semaphore, #tpu.memory_space<semaphore_mem>>
      %dma_start3A_29 = tpu.memref_slice %arg2[%mul3A_4] : memref<204800xi32, #tpu.memory_space<hbm>> -> memref<6400xi32, #tpu.memory_space<hbm>>
      %dma_start3A_30 = tpu.memref_slice %arg2[%mul3A_4] : memref<204800xi32, #tpu.memory_space<hbm>> -> memref<6400xi32, #tpu.memory_space<hbm>>
      tpu.enqueue_dma source(%dma_start3A_30 : memref<6400xi32, #tpu.memory_space<hbm>>) target(%arg5 : memref<6400xi32, #tpu.memory_space<vmem>>) target_semaphore(%run_scoped3A : memref<!tpu.dma_semaphore, #tpu.memory_space<semaphore_mem>>)
      %dma_wait3A = tpu.memref_slice %arg2[%mul3A_4] : memref<204800xi32, #tpu.memory_space<hbm>> -> memref<6400xi32, #tpu.memory_space<hbm>>
      %dma_wait3A_31 = tpu.memref_slice %arg2[%mul3A_4] : memref<204800xi32, #tpu.memory_space<hbm>> -> memref<6400xi32, #tpu.memory_space<hbm>>
      tpu.wait_dma2 semaphore(%run_scoped3A : memref<!tpu.dma_semaphore, #tpu.memory_space<semaphore_mem>>) src(%dma_wait3A_31 : memref<6400xi32, #tpu.memory_space<hbm>>) dst(%arg5 : memref<6400xi32, #tpu.memory_space<vmem>>)
      tpu.yield
    }) : () -> ()
    %dma_start3A = arith.constant 0 : i32
    %dma_start3A_5 = tpu.memref_slice %arg5[%dma_start3A] : memref<6400xi32, #tpu.memory_space<vmem>> -> memref<128xi32, #tpu.memory_space<vmem>>
    %dma_start3A_6 = arith.constant 0 : i32
    %dma_start3A_7 = arith.constant 0 : i32
    %dma_start3A_8 = tpu.memref_slice %arg3[%dma_start3A_6, %dma_start3A_7] : memref<100000x64xf32, #tpu.memory_space<hbm>> -> memref<100000x64xf32, #tpu.memory_space<hbm>>
    tpu.enqueue_indirect_dma source(%dma_start3A_8 : memref<100000x64xf32, #tpu.memory_space<hbm>>) target(%arg6 : memref<128x64xf32, #tpu.memory_space<vmem>>) offsets(%dma_start3A_5 : memref<128xi32, #tpu.memory_space<vmem>>) semaphore(%arg11 : memref<!tpu.dma_semaphore, #tpu.memory_space<semaphore_mem>>)
    %dma_start3A_9 = arith.constant 128 : i32
    %dma_start3A_10 = tpu.memref_slice %arg5[%dma_start3A_9] : memref<6400xi32, #tpu.memory_space<vmem>> -> memref<72xi32, #tpu.memory_space<vmem>>
    %dma_start3A_11 = arith.constant 0 : i32
    %dma_start3A_12 = arith.constant 0 : i32
    %dma_start3A_13 = tpu.memref_slice %arg3[%dma_start3A_11, %dma_start3A_12] : memref<100000x64xf32, #tpu.memory_space<hbm>> -> memref<100000x64xf32, #tpu.memory_space<hbm>>
    tpu.enqueue_indirect_dma source(%dma_start3A_13 : memref<100000x64xf32, #tpu.memory_space<hbm>>) target(%arg7 : memref<72x64xf32, #tpu.memory_space<vmem>>) offsets(%dma_start3A_10 : memref<72xi32, #tpu.memory_space<vmem>>) semaphore(%arg11 : memref<!tpu.dma_semaphore, #tpu.memory_space<semaphore_mem>>)
    %dma_start3A_14 = arith.constant 200 : i32
    %dma_start3A_15 = tpu.memref_slice %arg5[%dma_start3A_14] : memref<6400xi32, #tpu.memory_space<vmem>> -> memref<128xi32, #tpu.memory_space<vmem>>
    %dma_start3A_16 = arith.constant 0 : i32
    %dma_start3A_17 = arith.constant 0 : i32
    %dma_start3A_18 = tpu.memref_slice %arg3[%dma_start3A_16, %dma_start3A_17] : memref<100000x64xf32, #tpu.memory_space<hbm>> -> memref<100000x64xf32, #tpu.memory_space<hbm>>
    tpu.enqueue_indirect_dma source(%dma_start3A_18 : memref<100000x64xf32, #tpu.memory_space<hbm>>) target(%arg8 : memref<128x64xf32, #tpu.memory_space<vmem>>) offsets(%dma_start3A_15 : memref<128xi32, #tpu.memory_space<vmem>>) semaphore(%arg12 : memref<!tpu.dma_semaphore, #tpu.memory_space<semaphore_mem>>)
    %dma_start3A_19 = arith.constant 328 : i32
    %dma_start3A_20 = tpu.memref_slice %arg5[%dma_start3A_19] : memref<6400xi32, #tpu.memory_space<vmem>> -> memref<72xi32, #tpu.memory_space<vmem>>
    %dma_start3A_21 = arith.constant 0 : i32
    %dma_start3A_22 = arith.constant 0 : i32
    %dma_start3A_23 = tpu.memref_slice %arg3[%dma_start3A_21, %dma_start3A_22] : memref<100000x64xf32, #tpu.memory_space<hbm>> -> memref<100000x64xf32, #tpu.memory_space<hbm>>
    tpu.enqueue_indirect_dma source(%dma_start3A_23 : memref<100000x64xf32, #tpu.memory_space<hbm>>) target(%arg9 : memref<72x64xf32, #tpu.memory_space<vmem>>) offsets(%dma_start3A_20 : memref<72xi32, #tpu.memory_space<vmem>>) semaphore(%arg12 : memref<!tpu.dma_semaphore, #tpu.memory_space<semaphore_mem>>)
    %scan3A = arith.constant 5.000000e-03 : f32
    %scan3A_24 = arith.constant 0 : i32
    %scan3A_25 = arith.constant 32 : i32
    %scan3A_26 = arith.addi %scan3A_24, %scan3A_25 : i32
    %scan3A_27 = arith.constant 1 : i32
    scf.for %scan3A_29 = %scan3A_24 to %scan3A_26 step %scan3A_27  : i32 {
      %mul3A_30 = arith.constant 1 : i32
      %mul3A_31 = arith.muli %scan3A_29, %mul3A_30 : i32
      %add3A_32 = arith.constant 0 : i32
      %add3A_33 = arith.addi %add3A_32, %mul3A_31 : i32
      %rem3A = arith.constant 2 : i32
      %rem3A_34 = arith.remsi %add3A_33, %rem3A : i32
      %eq3A = arith.constant 0 : i32
      %eq3A_35 = arith.cmpi eq, %rem3A_34, %eq3A : i32
      %convert_element_type3A = arith.extui %eq3A_35 : i1 to i32
      %cond3A = arith.constant 0 : i32
      %cond3A_36 = arith.cmpi ne, %convert_element_type3A, %cond3A : i32
      scf.if %cond3A_36 {
        %dma_wait3A = arith.constant 0 : i32
        %dma_wait3A_78 = tpu.memref_slice %arg5[%dma_wait3A] : memref<6400xi32, #tpu.memory_space<vmem>> -> memref<128xi32, #tpu.memory_space<vmem>>
        %dma_wait3A_79 = arith.constant 0 : i32
        %dma_wait3A_80 = arith.constant 0 : i32
        %dma_wait3A_81 = tpu.memref_slice %arg3[%dma_wait3A_79, %dma_wait3A_80] : memref<100000x64xf32, #tpu.memory_space<hbm>> -> memref<100000x64xf32, #tpu.memory_space<hbm>>
        tpu.wait_indirect_dma semaphore(%arg11 : memref<!tpu.dma_semaphore, #tpu.memory_space<semaphore_mem>>) src(%dma_wait3A_81 : memref<100000x64xf32, #tpu.memory_space<hbm>>) dst(%arg6 : memref<128x64xf32, #tpu.memory_space<vmem>>)
        %dma_wait3A_82 = arith.constant 128 : i32
        %dma_wait3A_83 = tpu.memref_slice %arg5[%dma_wait3A_82] : memref<6400xi32, #tpu.memory_space<vmem>> -> memref<72xi32, #tpu.memory_space<vmem>>
        %dma_wait3A_84 = arith.constant 0 : i32
        %dma_wait3A_85 = arith.constant 0 : i32
        %dma_wait3A_86 = tpu.memref_slice %arg3[%dma_wait3A_84, %dma_wait3A_85] : memref<100000x64xf32, #tpu.memory_space<hbm>> -> memref<100000x64xf32, #tpu.memory_space<hbm>>
        tpu.wait_indirect_dma semaphore(%arg11 : memref<!tpu.dma_semaphore, #tpu.memory_space<semaphore_mem>>) src(%dma_wait3A_86 : memref<100000x64xf32, #tpu.memory_space<hbm>>) dst(%arg7 : memref<72x64xf32, #tpu.memory_space<vmem>>)
      } else {
      }
      %eq3A_37 = arith.constant 1 : i32
      %eq3A_38 = arith.cmpi eq, %rem3A_34, %eq3A_37 : i32
      %convert_element_type3A_39 = arith.extui %eq3A_38 : i1 to i32
      %cond3A_40 = arith.constant 0 : i32
      %cond3A_41 = arith.cmpi ne, %convert_element_type3A_39, %cond3A_40 : i32
      scf.if %cond3A_41 {
        %dma_wait3A = arith.constant 0 : i32
        %dma_wait3A_78 = tpu.memref_slice %arg5[%dma_wait3A] : memref<6400xi32, #tpu.memory_space<vmem>> -> memref<128xi32, #tpu.memory_space<vmem>>
        %dma_wait3A_79 = arith.constant 0 : i32
        %dma_wait3A_80 = arith.constant 0 : i32
        %dma_wait3A_81 = tpu.memref_slice %arg3[%dma_wait3A_79, %dma_wait3A_80] : memref<100000x64xf32, #tpu.memory_space<hbm>> -> memref<100000x64xf32, #tpu.memory_space<hbm>>
        tpu.wait_indirect_dma semaphore(%arg12 : memref<!tpu.dma_semaphore, #tpu.memory_space<semaphore_mem>>) src(%dma_wait3A_81 : memref<100000x64xf32, #tpu.memory_space<hbm>>) dst(%arg8 : memref<128x64xf32, #tpu.memory_space<vmem>>)
        %dma_wait3A_82 = arith.constant 128 : i32
        %dma_wait3A_83 = tpu.memref_slice %arg5[%dma_wait3A_82] : memref<6400xi32, #tpu.memory_space<vmem>> -> memref<72xi32, #tpu.memory_space<vmem>>
        %dma_wait3A_84 = arith.constant 0 : i32
        %dma_wait3A_85 = arith.constant 0 : i32
        %dma_wait3A_86 = tpu.memref_slice %arg3[%dma_wait3A_84, %dma_wait3A_85] : memref<100000x64xf32, #tpu.memory_space<hbm>> -> memref<100000x64xf32, #tpu.memory_space<hbm>>
        tpu.wait_indirect_dma semaphore(%arg12 : memref<!tpu.dma_semaphore, #tpu.memory_space<semaphore_mem>>) src(%dma_wait3A_86 : memref<100000x64xf32, #tpu.memory_space<hbm>>) dst(%arg9 : memref<72x64xf32, #tpu.memory_space<vmem>>)
      } else {
      }
      %eq3A_42 = arith.constant 0 : i32
      %eq3A_43 = arith.cmpi eq, %rem3A_34, %eq3A_42 : i32
      %convert_element_type3A_44 = arith.extui %eq3A_43 : i1 to i32
      %cond3A_45 = arith.constant 0 : i32
      %cond3A_46 = arith.cmpi ne, %convert_element_type3A_44, %cond3A_45 : i32
      scf.if %cond3A_46 {
        %broadcast_in_dim3A_78 = arith.constant 0.000000e+00 : f32
        %broadcast_in_dim3A_79 = vector.broadcast %broadcast_in_dim3A_78 : f32 to vector<16xf32>
        %broadcast_in_dim3A_80 = arith.constant 0.000000e+00 : f32
        %broadcast_in_dim3A_81 = vector.broadcast %broadcast_in_dim3A_80 : f32 to vector<16xf32>
        %broadcast_in_dim3A_82 = arith.constant 0.000000e+00 : f32
        %broadcast_in_dim3A_83 = vector.broadcast %broadcast_in_dim3A_82 : f32 to vector<16xf32>
        %broadcast_in_dim3A_84 = arith.constant 0.000000e+00 : f32
        %broadcast_in_dim3A_85 = vector.broadcast %broadcast_in_dim3A_84 : f32 to vector<16xf32>
        %scan3A_86 = arith.constant 0 : i32
        %scan3A_87 = arith.constant 128 : i32
        %scan3A_88 = arith.addi %scan3A_86, %scan3A_87 : i32
        %scan3A_89 = arith.constant 4 : i32
        %scan3A_90:4 = scf.for %scan3A_126 = %scan3A_86 to %scan3A_88 step %scan3A_89 iter_args(%scan3A_127 = %broadcast_in_dim3A_79, %scan3A_128 = %broadcast_in_dim3A_81, %scan3A_129 = %broadcast_in_dim3A_83, %scan3A_130 = %broadcast_in_dim3A_85) -> (vector<16xf32>, vector<16xf32>, vector<16xf32>, vector<16xf32>)  : i32 {
          %get3A = arith.index_cast %scan3A_126 : i32 to index
          %get3A_131 = arith.constant 0 : index
          %get3A_132 = tpu.vector_load %arg6[%get3A, %get3A_131] {strides = array<i32>} : memref<128x64xf32, #tpu.memory_space<vmem>>, vector<1x16xf32>,
          %get3A_133 = vector.shape_cast %get3A_132 : vector<1x16xf32> to vector<16xf32>
          %add3A_134 = arith.addf %scan3A_127, %get3A_133 : vector<16xf32>
          %get3A_135 = arith.index_cast %scan3A_126 : i32 to index
          %get3A_136 = arith.constant 16 : index
          %get3A_137 = tpu.vector_load %arg6[%get3A_135, %get3A_136] {strides = array<i32>} : memref<128x64xf32, #tpu.memory_space<vmem>>, vector<1x16xf32>,
          %get3A_138 = vector.shape_cast %get3A_137 : vector<1x16xf32> to vector<16xf32>
          %add3A_139 = arith.addf %scan3A_128, %get3A_138 : vector<16xf32>
          %get3A_140 = arith.index_cast %scan3A_126 : i32 to index
          %get3A_141 = arith.constant 32 : index
          %get3A_142 = tpu.vector_load %arg6[%get3A_140, %get3A_141] {strides = array<i32>} : memref<128x64xf32, #tpu.memory_space<vmem>>, vector<1x16xf32>,
          %get3A_143 = vector.shape_cast %get3A_142 : vector<1x16xf32> to vector<16xf32>
          %add3A_144 = arith.addf %scan3A_129, %get3A_143 : vector<16xf32>
          %get3A_145 = arith.index_cast %scan3A_126 : i32 to index
          %get3A_146 = arith.constant 48 : index
          %get3A_147 = tpu.vector_load %arg6[%get3A_145, %get3A_146] {strides = array<i32>} : memref<128x64xf32, #tpu.memory_space<vmem>>, vector<1x16xf32>,
          %get3A_148 = vector.shape_cast %get3A_147 : vector<1x16xf32> to vector<16xf32>
          %add3A_149 = arith.addf %scan3A_130, %get3A_148 : vector<16xf32>
          %scan3A_150 = arith.constant 1 : i32
          %scan3A_151 = arith.addi %scan3A_126, %scan3A_150 : i32
          %get3A_152 = arith.index_cast %scan3A_151 : i32 to index
          %get3A_153 = arith.constant 0 : index
          %get3A_154 = tpu.vector_load %arg6[%get3A_152, %get3A_153] {strides = array<i32>} : memref<128x64xf32, #tpu.memory_space<vmem>>, vector<1x16xf32>,
          %get3A_155 = vector.shape_cast %get3A_154 : vector<1x16xf32> to vector<16xf32>
          %add3A_156 = arith.addf %add3A_134, %get3A_155 : vector<16xf32>
          %get3A_157 = arith.index_cast %scan3A_151 : i32 to index
          %get3A_158 = arith.constant 16 : index
          %get3A_159 = tpu.vector_load %arg6[%get3A_157, %get3A_158] {strides = array<i32>} : memref<128x64xf32, #tpu.memory_space<vmem>>, vector<1x16xf32>,
          %get3A_160 = vector.shape_cast %get3A_159 : vector<1x16xf32> to vector<16xf32>
          %add3A_161 = arith.addf %add3A_139, %get3A_160 : vector<16xf32>
          %get3A_162 = arith.index_cast %scan3A_151 : i32 to index
          %get3A_163 = arith.constant 32 : index
          %get3A_164 = tpu.vector_load %arg6[%get3A_162, %get3A_163] {strides = array<i32>} : memref<128x64xf32, #tpu.memory_space<vmem>>, vector<1x16xf32>,
          %get3A_165 = vector.shape_cast %get3A_164 : vector<1x16xf32> to vector<16xf32>
          %add3A_166 = arith.addf %add3A_144, %get3A_165 : vector<16xf32>
          %get3A_167 = arith.index_cast %scan3A_151 : i32 to index
          %get3A_168 = arith.constant 48 : index
          %get3A_169 = tpu.vector_load %arg6[%get3A_167, %get3A_168] {strides = array<i32>} : memref<128x64xf32, #tpu.memory_space<vmem>>, vector<1x16xf32>,
          %get3A_170 = vector.shape_cast %get3A_169 : vector<1x16xf32> to vector<16xf32>
          %add3A_171 = arith.addf %add3A_149, %get3A_170 : vector<16xf32>
          %scan3A_172 = arith.constant 2 : i32
          %scan3A_173 = arith.addi %scan3A_126, %scan3A_172 : i32
          %get3A_174 = arith.index_cast %scan3A_173 : i32 to index
          %get3A_175 = arith.constant 0 : index
          %get3A_176 = tpu.vector_load %arg6[%get3A_174, %get3A_175] {strides = array<i32>} : memref<128x64xf32, #tpu.memory_space<vmem>>, vector<1x16xf32>,
          %get3A_177 = vector.shape_cast %get3A_176 : vector<1x16xf32> to vector<16xf32>
          %add3A_178 = arith.addf %add3A_156, %get3A_177 : vector<16xf32>
          %get3A_179 = arith.index_cast %scan3A_173 : i32 to index
          %get3A_180 = arith.constant 16 : index
          %get3A_181 = tpu.vector_load %arg6[%get3A_179, %get3A_180] {strides = array<i32>} : memref<128x64xf32, #tpu.memory_space<vmem>>, vector<1x16xf32>,
          %get3A_182 = vector.shape_cast %get3A_181 : vector<1x16xf32> to vector<16xf32>
          %add3A_183 = arith.addf %add3A_161, %get3A_182 : vector<16xf32>
          %get3A_184 = arith.index_cast %scan3A_173 : i32 to index
          %get3A_185 = arith.constant 32 : index
          %get3A_186 = tpu.vector_load %arg6[%get3A_184, %get3A_185] {strides = array<i32>} : memref<128x64xf32, #tpu.memory_space<vmem>>, vector<1x16xf32>,
          %get3A_187 = vector.shape_cast %get3A_186 : vector<1x16xf32> to vector<16xf32>
          %add3A_188 = arith.addf %add3A_166, %get3A_187 : vector<16xf32>
          %get3A_189 = arith.index_cast %scan3A_173 : i32 to index
          %get3A_190 = arith.constant 48 : index
          %get3A_191 = tpu.vector_load %arg6[%get3A_189, %get3A_190] {strides = array<i32>} : memref<128x64xf32, #tpu.memory_space<vmem>>, vector<1x16xf32>,
          %get3A_192 = vector.shape_cast %get3A_191 : vector<1x16xf32> to vector<16xf32>
          %add3A_193 = arith.addf %add3A_171, %get3A_192 : vector<16xf32>
          %scan3A_194 = arith.constant 3 : i32
          %scan3A_195 = arith.addi %scan3A_126, %scan3A_194 : i32
          %get3A_196 = arith.index_cast %scan3A_195 : i32 to index
          %get3A_197 = arith.constant 0 : index
          %get3A_198 = tpu.vector_load %arg6[%get3A_196, %get3A_197] {strides = array<i32>} : memref<128x64xf32, #tpu.memory_space<vmem>>, vector<1x16xf32>,
          %get3A_199 = vector.shape_cast %get3A_198 : vector<1x16xf32> to vector<16xf32>
          %add3A_200 = arith.addf %add3A_178, %get3A_199 : vector<16xf32>
          %get3A_201 = arith.index_cast %scan3A_195 : i32 to index
          %get3A_202 = arith.constant 16 : index
          %get3A_203 = tpu.vector_load %arg6[%get3A_201, %get3A_202] {strides = array<i32>} : memref<128x64xf32, #tpu.memory_space<vmem>>, vector<1x16xf32>,
          %get3A_204 = vector.shape_cast %get3A_203 : vector<1x16xf32> to vector<16xf32>
          %add3A_205 = arith.addf %add3A_183, %get3A_204 : vector<16xf32>
          %get3A_206 = arith.index_cast %scan3A_195 : i32 to index
          %get3A_207 = arith.constant 32 : index
          %get3A_208 = tpu.vector_load %arg6[%get3A_206, %get3A_207] {strides = array<i32>} : memref<128x64xf32, #tpu.memory_space<vmem>>, vector<1x16xf32>,
          %get3A_209 = vector.shape_cast %get3A_208 : vector<1x16xf32> to vector<16xf32>
          %add3A_210 = arith.addf %add3A_188, %get3A_209 : vector<16xf32>
          %get3A_211 = arith.index_cast %scan3A_195 : i32 to index
          %get3A_212 = arith.constant 48 : index
          %get3A_213 = tpu.vector_load %arg6[%get3A_211, %get3A_212] {strides = array<i32>} : memref<128x64xf32, #tpu.memory_space<vmem>>, vector<1x16xf32>,
          %get3A_214 = vector.shape_cast %get3A_213 : vector<1x16xf32> to vector<16xf32>
          %add3A_215 = arith.addf %add3A_193, %get3A_214 : vector<16xf32>
          scf.yield %add3A_200, %add3A_205, %add3A_210, %add3A_215 : vector<16xf32>, vector<16xf32>, vector<16xf32>, vector<16xf32>
        }
        %scan3A_91 = arith.constant 128 : i32
        %scan3A_92 = arith.constant 0 : i32
        %scan3A_93 = arith.constant 72 : i32
        %scan3A_94 = arith.addi %scan3A_92, %scan3A_93 : i32
        %scan3A_95 = arith.constant 4 : i32
        %scan3A_96:4 = scf.for %scan3A_126 = %scan3A_92 to %scan3A_94 step %scan3A_95 iter_args(%scan3A_127 = %scan3A_90#0, %scan3A_128 = %scan3A_90#1, %scan3A_129 = %scan3A_90#2, %scan3A_130 = %scan3A_90#3) -> (vector<16xf32>, vector<16xf32>, vector<16xf32>, vector<16xf32>)  : i32 {
          %get3A = arith.index_cast %scan3A_126 : i32 to index
          %get3A_131 = arith.constant 0 : index
          %get3A_132 = tpu.vector_load %arg7[%get3A, %get3A_131] {strides = array<i32>} : memref<72x64xf32, #tpu.memory_space<vmem>>, vector<1x16xf32>,
          %get3A_133 = vector.shape_cast %get3A_132 : vector<1x16xf32> to vector<16xf32>
          %add3A_134 = arith.addf %scan3A_127, %get3A_133 : vector<16xf32>
          %get3A_135 = arith.index_cast %scan3A_126 : i32 to index
          %get3A_136 = arith.constant 16 : index
          %get3A_137 = tpu.vector_load %arg7[%get3A_135, %get3A_136] {strides = array<i32>} : memref<72x64xf32, #tpu.memory_space<vmem>>, vector<1x16xf32>,
          %get3A_138 = vector.shape_cast %get3A_137 : vector<1x16xf32> to vector<16xf32>
          %add3A_139 = arith.addf %scan3A_128, %get3A_138 : vector<16xf32>
          %get3A_140 = arith.index_cast %scan3A_126 : i32 to index
          %get3A_141 = arith.constant 32 : index
          %get3A_142 = tpu.vector_load %arg7[%get3A_140, %get3A_141] {strides = array<i32>} : memref<72x64xf32, #tpu.memory_space<vmem>>, vector<1x16xf32>,
          %get3A_143 = vector.shape_cast %get3A_142 : vector<1x16xf32> to vector<16xf32>
          %add3A_144 = arith.addf %scan3A_129, %get3A_143 : vector<16xf32>
          %get3A_145 = arith.index_cast %scan3A_126 : i32 to index
          %get3A_146 = arith.constant 48 : index
          %get3A_147 = tpu.vector_load %arg7[%get3A_145, %get3A_146] {strides = array<i32>} : memref<72x64xf32, #tpu.memory_space<vmem>>, vector<1x16xf32>,
          %get3A_148 = vector.shape_cast %get3A_147 : vector<1x16xf32> to vector<16xf32>
          %add3A_149 = arith.addf %scan3A_130, %get3A_148 : vector<16xf32>
          %scan3A_150 = arith.constant 1 : i32
          %scan3A_151 = arith.addi %scan3A_126, %scan3A_150 : i32
          %get3A_152 = arith.index_cast %scan3A_151 : i32 to index
          %get3A_153 = arith.constant 0 : index
          %get3A_154 = tpu.vector_load %arg7[%get3A_152, %get3A_153] {strides = array<i32>} : memref<72x64xf32, #tpu.memory_space<vmem>>, vector<1x16xf32>,
          %get3A_155 = vector.shape_cast %get3A_154 : vector<1x16xf32> to vector<16xf32>
          %add3A_156 = arith.addf %add3A_134, %get3A_155 : vector<16xf32>
          %get3A_157 = arith.index_cast %scan3A_151 : i32 to index
          %get3A_158 = arith.constant 16 : index
          %get3A_159 = tpu.vector_load %arg7[%get3A_157, %get3A_158] {strides = array<i32>} : memref<72x64xf32, #tpu.memory_space<vmem>>, vector<1x16xf32>,
          %get3A_160 = vector.shape_cast %get3A_159 : vector<1x16xf32> to vector<16xf32>
          %add3A_161 = arith.addf %add3A_139, %get3A_160 : vector<16xf32>
          %get3A_162 = arith.index_cast %scan3A_151 : i32 to index
          %get3A_163 = arith.constant 32 : index
          %get3A_164 = tpu.vector_load %arg7[%get3A_162, %get3A_163] {strides = array<i32>} : memref<72x64xf32, #tpu.memory_space<vmem>>, vector<1x16xf32>,
          %get3A_165 = vector.shape_cast %get3A_164 : vector<1x16xf32> to vector<16xf32>
          %add3A_166 = arith.addf %add3A_144, %get3A_165 : vector<16xf32>
          %get3A_167 = arith.index_cast %scan3A_151 : i32 to index
          %get3A_168 = arith.constant 48 : index
          %get3A_169 = tpu.vector_load %arg7[%get3A_167, %get3A_168] {strides = array<i32>} : memref<72x64xf32, #tpu.memory_space<vmem>>, vector<1x16xf32>,
          %get3A_170 = vector.shape_cast %get3A_169 : vector<1x16xf32> to vector<16xf32>
          %add3A_171 = arith.addf %add3A_149, %get3A_170 : vector<16xf32>
          %scan3A_172 = arith.constant 2 : i32
          %scan3A_173 = arith.addi %scan3A_126, %scan3A_172 : i32
          %get3A_174 = arith.index_cast %scan3A_173 : i32 to index
          %get3A_175 = arith.constant 0 : index
          %get3A_176 = tpu.vector_load %arg7[%get3A_174, %get3A_175] {strides = array<i32>} : memref<72x64xf32, #tpu.memory_space<vmem>>, vector<1x16xf32>,
          %get3A_177 = vector.shape_cast %get3A_176 : vector<1x16xf32> to vector<16xf32>
          %add3A_178 = arith.addf %add3A_156, %get3A_177 : vector<16xf32>
          %get3A_179 = arith.index_cast %scan3A_173 : i32 to index
          %get3A_180 = arith.constant 16 : index
          %get3A_181 = tpu.vector_load %arg7[%get3A_179, %get3A_180] {strides = array<i32>} : memref<72x64xf32, #tpu.memory_space<vmem>>, vector<1x16xf32>,
          %get3A_182 = vector.shape_cast %get3A_181 : vector<1x16xf32> to vector<16xf32>
          %add3A_183 = arith.addf %add3A_161, %get3A_182 : vector<16xf32>
          %get3A_184 = arith.index_cast %scan3A_173 : i32 to index
          %get3A_185 = arith.constant 32 : index
          %get3A_186 = tpu.vector_load %arg7[%get3A_184, %get3A_185] {strides = array<i32>} : memref<72x64xf32, #tpu.memory_space<vmem>>, vector<1x16xf32>,
          %get3A_187 = vector.shape_cast %get3A_186 : vector<1x16xf32> to vector<16xf32>
          %add3A_188 = arith.addf %add3A_166, %get3A_187 : vector<16xf32>
          %get3A_189 = arith.index_cast %scan3A_173 : i32 to index
          %get3A_190 = arith.constant 48 : index
          %get3A_191 = tpu.vector_load %arg7[%get3A_189, %get3A_190] {strides = array<i32>} : memref<72x64xf32, #tpu.memory_space<vmem>>, vector<1x16xf32>,
          %get3A_192 = vector.shape_cast %get3A_191 : vector<1x16xf32> to vector<16xf32>
          %add3A_193 = arith.addf %add3A_171, %get3A_192 : vector<16xf32>
          %scan3A_194 = arith.constant 3 : i32
          %scan3A_195 = arith.addi %scan3A_126, %scan3A_194 : i32
          %get3A_196 = arith.index_cast %scan3A_195 : i32 to index
          %get3A_197 = arith.constant 0 : index
          %get3A_198 = tpu.vector_load %arg7[%get3A_196, %get3A_197] {strides = array<i32>} : memref<72x64xf32, #tpu.memory_space<vmem>>, vector<1x16xf32>,
          %get3A_199 = vector.shape_cast %get3A_198 : vector<1x16xf32> to vector<16xf32>
          %add3A_200 = arith.addf %add3A_178, %get3A_199 : vector<16xf32>
          %get3A_201 = arith.index_cast %scan3A_195 : i32 to index
          %get3A_202 = arith.constant 16 : index
          %get3A_203 = tpu.vector_load %arg7[%get3A_201, %get3A_202] {strides = array<i32>} : memref<72x64xf32, #tpu.memory_space<vmem>>, vector<1x16xf32>,
          %get3A_204 = vector.shape_cast %get3A_203 : vector<1x16xf32> to vector<16xf32>
          %add3A_205 = arith.addf %add3A_183, %get3A_204 : vector<16xf32>
          %get3A_206 = arith.index_cast %scan3A_195 : i32 to index
          %get3A_207 = arith.constant 32 : index
          %get3A_208 = tpu.vector_load %arg7[%get3A_206, %get3A_207] {strides = array<i32>} : memref<72x64xf32, #tpu.memory_space<vmem>>, vector<1x16xf32>,
          %get3A_209 = vector.shape_cast %get3A_208 : vector<1x16xf32> to vector<16xf32>
          %add3A_210 = arith.addf %add3A_188, %get3A_209 : vector<16xf32>
          %get3A_211 = arith.index_cast %scan3A_195 : i32 to index
          %get3A_212 = arith.constant 48 : index
          %get3A_213 = tpu.vector_load %arg7[%get3A_211, %get3A_212] {strides = array<i32>} : memref<72x64xf32, #tpu.memory_space<vmem>>, vector<1x16xf32>,
          %get3A_214 = vector.shape_cast %get3A_213 : vector<1x16xf32> to vector<16xf32>
          %add3A_215 = arith.addf %add3A_193, %get3A_214 : vector<16xf32>
          scf.yield %add3A_200, %add3A_205, %add3A_210, %add3A_215 : vector<16xf32>, vector<16xf32>, vector<16xf32>, vector<16xf32>
        }
        %scan3A_97 = arith.constant 72 : i32
        %mul3A_98 = vector.broadcast %scan3A : f32 to vector<16xf32>
        %mul3A_99 = arith.mulf %scan3A_96#0, %mul3A_98 : vector<16xf32>
        %swap3A_100 = arith.index_cast %add3A_33 : i32 to index
        %swap3A_101 = arith.constant 0 : index
        %swap3A_102 = tpu.vector_load %arg10[%swap3A_100, %swap3A_101] {strides = array<i32>} : memref<32x128xf32, #tpu.memory_space<vmem>>, vector<1x16xf32>,
        %swap3A_103 = vector.shape_cast %swap3A_102 : vector<1x16xf32> to vector<16xf32>
        %swap3A_104 = vector.shape_cast %mul3A_99 : vector<16xf32> to vector<1x16xf32>
        tpu.vector_store %arg10[%swap3A_100, %swap3A_101], %swap3A_104 {strides = array<i32>} : memref<32x128xf32, #tpu.memory_space<vmem>>, vector<1x16xf32>,
        %mul3A_105 = vector.broadcast %scan3A : f32 to vector<16xf32>
        %mul3A_106 = arith.mulf %scan3A_96#1, %mul3A_105 : vector<16xf32>
        %swap3A_107 = arith.index_cast %add3A_33 : i32 to index
        %swap3A_108 = arith.constant 16 : index
        %swap3A_109 = tpu.vector_load %arg10[%swap3A_107, %swap3A_108] {strides = array<i32>} : memref<32x128xf32, #tpu.memory_space<vmem>>, vector<1x16xf32>,
        %swap3A_110 = vector.shape_cast %swap3A_109 : vector<1x16xf32> to vector<16xf32>
        %swap3A_111 = vector.shape_cast %mul3A_106 : vector<16xf32> to vector<1x16xf32>
        tpu.vector_store %arg10[%swap3A_107, %swap3A_108], %swap3A_111 {strides = array<i32>} : memref<32x128xf32, #tpu.memory_space<vmem>>, vector<1x16xf32>,
        %mul3A_112 = vector.broadcast %scan3A : f32 to vector<16xf32>
        %mul3A_113 = arith.mulf %scan3A_96#2, %mul3A_112 : vector<16xf32>
        %swap3A_114 = arith.index_cast %add3A_33 : i32 to index
        %swap3A_115 = arith.constant 32 : index
        %swap3A_116 = tpu.vector_load %arg10[%swap3A_114, %swap3A_115] {strides = array<i32>} : memref<32x128xf32, #tpu.memory_space<vmem>>, vector<1x16xf32>,
        %swap3A_117 = vector.shape_cast %swap3A_116 : vector<1x16xf32> to vector<16xf32>
        %swap3A_118 = vector.shape_cast %mul3A_113 : vector<16xf32> to vector<1x16xf32>
        tpu.vector_store %arg10[%swap3A_114, %swap3A_115], %swap3A_118 {strides = array<i32>} : memref<32x128xf32, #tpu.memory_space<vmem>>, vector<1x16xf32>,
        %mul3A_119 = vector.broadcast %scan3A : f32 to vector<16xf32>
        %mul3A_120 = arith.mulf %scan3A_96#3, %mul3A_119 : vector<16xf32>
        %swap3A_121 = arith.index_cast %add3A_33 : i32 to index
        %swap3A_122 = arith.constant 48 : index
        %swap3A_123 = tpu.vector_load %arg10[%swap3A_121, %swap3A_122] {strides = array<i32>} : memref<32x128xf32, #tpu.memory_space<vmem>>, vector<1x16xf32>,
        %swap3A_124 = vector.shape_cast %swap3A_123 : vector<1x16xf32> to vector<16xf32>
        %swap3A_125 = vector.shape_cast %mul3A_120 : vector<16xf32> to vector<1x16xf32>
        tpu.vector_store %arg10[%swap3A_121, %swap3A_122], %swap3A_125 {strides = array<i32>} : memref<32x128xf32, #tpu.memory_space<vmem>>, vector<1x16xf32>,
      } else {
      }
      %eq3A_47 = arith.constant 1 : i32
      %eq3A_48 = arith.cmpi eq, %rem3A_34, %eq3A_47 : i32
      %convert_element_type3A_49 = arith.extui %eq3A_48 : i1 to i32
      %cond3A_50 = arith.constant 0 : i32
      %cond3A_51 = arith.cmpi ne, %convert_element_type3A_49, %cond3A_50 : i32
      scf.if %cond3A_51 {
        %broadcast_in_dim3A_78 = arith.constant 0.000000e+00 : f32
        %broadcast_in_dim3A_79 = vector.broadcast %broadcast_in_dim3A_78 : f32 to vector<16xf32>
        %broadcast_in_dim3A_80 = arith.constant 0.000000e+00 : f32
        %broadcast_in_dim3A_81 = vector.broadcast %broadcast_in_dim3A_80 : f32 to vector<16xf32>
        %broadcast_in_dim3A_82 = arith.constant 0.000000e+00 : f32
        %broadcast_in_dim3A_83 = vector.broadcast %broadcast_in_dim3A_82 : f32 to vector<16xf32>
        %broadcast_in_dim3A_84 = arith.constant 0.000000e+00 : f32
        %broadcast_in_dim3A_85 = vector.broadcast %broadcast_in_dim3A_84 : f32 to vector<16xf32>
        %scan3A_86 = arith.constant 0 : i32
        %scan3A_87 = arith.constant 128 : i32
        %scan3A_88 = arith.addi %scan3A_86, %scan3A_87 : i32
        %scan3A_89 = arith.constant 4 : i32
        %scan3A_90:4 = scf.for %scan3A_126 = %scan3A_86 to %scan3A_88 step %scan3A_89 iter_args(%scan3A_127 = %broadcast_in_dim3A_79, %scan3A_128 = %broadcast_in_dim3A_81, %scan3A_129 = %broadcast_in_dim3A_83, %scan3A_130 = %broadcast_in_dim3A_85) -> (vector<16xf32>, vector<16xf32>, vector<16xf32>, vector<16xf32>)  : i32 {
          %get3A = arith.index_cast %scan3A_126 : i32 to index
          %get3A_131 = arith.constant 0 : index
          %get3A_132 = tpu.vector_load %arg8[%get3A, %get3A_131] {strides = array<i32>} : memref<128x64xf32, #tpu.memory_space<vmem>>, vector<1x16xf32>,
          %get3A_133 = vector.shape_cast %get3A_132 : vector<1x16xf32> to vector<16xf32>
          %add3A_134 = arith.addf %scan3A_127, %get3A_133 : vector<16xf32>
          %get3A_135 = arith.index_cast %scan3A_126 : i32 to index
          %get3A_136 = arith.constant 16 : index
          %get3A_137 = tpu.vector_load %arg8[%get3A_135, %get3A_136] {strides = array<i32>} : memref<128x64xf32, #tpu.memory_space<vmem>>, vector<1x16xf32>,
          %get3A_138 = vector.shape_cast %get3A_137 : vector<1x16xf32> to vector<16xf32>
          %add3A_139 = arith.addf %scan3A_128, %get3A_138 : vector<16xf32>
          %get3A_140 = arith.index_cast %scan3A_126 : i32 to index
          %get3A_141 = arith.constant 32 : index
          %get3A_142 = tpu.vector_load %arg8[%get3A_140, %get3A_141] {strides = array<i32>} : memref<128x64xf32, #tpu.memory_space<vmem>>, vector<1x16xf32>,
          %get3A_143 = vector.shape_cast %get3A_142 : vector<1x16xf32> to vector<16xf32>
          %add3A_144 = arith.addf %scan3A_129, %get3A_143 : vector<16xf32>
          %get3A_145 = arith.index_cast %scan3A_126 : i32 to index
          %get3A_146 = arith.constant 48 : index
          %get3A_147 = tpu.vector_load %arg8[%get3A_145, %get3A_146] {strides = array<i32>} : memref<128x64xf32, #tpu.memory_space<vmem>>, vector<1x16xf32>,
          %get3A_148 = vector.shape_cast %get3A_147 : vector<1x16xf32> to vector<16xf32>
          %add3A_149 = arith.addf %scan3A_130, %get3A_148 : vector<16xf32>
          %scan3A_150 = arith.constant 1 : i32
          %scan3A_151 = arith.addi %scan3A_126, %scan3A_150 : i32
          %get3A_152 = arith.index_cast %scan3A_151 : i32 to index
          %get3A_153 = arith.constant 0 : index
          %get3A_154 = tpu.vector_load %arg8[%get3A_152, %get3A_153] {strides = array<i32>} : memref<128x64xf32, #tpu.memory_space<vmem>>, vector<1x16xf32>,
          %get3A_155 = vector.shape_cast %get3A_154 : vector<1x16xf32> to vector<16xf32>
          %add3A_156 = arith.addf %add3A_134, %get3A_155 : vector<16xf32>
          %get3A_157 = arith.index_cast %scan3A_151 : i32 to index
          %get3A_158 = arith.constant 16 : index
          %get3A_159 = tpu.vector_load %arg8[%get3A_157, %get3A_158] {strides = array<i32>} : memref<128x64xf32, #tpu.memory_space<vmem>>, vector<1x16xf32>,
          %get3A_160 = vector.shape_cast %get3A_159 : vector<1x16xf32> to vector<16xf32>
          %add3A_161 = arith.addf %add3A_139, %get3A_160 : vector<16xf32>
          %get3A_162 = arith.index_cast %scan3A_151 : i32 to index
          %get3A_163 = arith.constant 32 : index
          %get3A_164 = tpu.vector_load %arg8[%get3A_162, %get3A_163] {strides = array<i32>} : memref<128x64xf32, #tpu.memory_space<vmem>>, vector<1x16xf32>,
          %get3A_165 = vector.shape_cast %get3A_164 : vector<1x16xf32> to vector<16xf32>
          %add3A_166 = arith.addf %add3A_144, %get3A_165 : vector<16xf32>
          %get3A_167 = arith.index_cast %scan3A_151 : i32 to index
          %get3A_168 = arith.constant 48 : index
          %get3A_169 = tpu.vector_load %arg8[%get3A_167, %get3A_168] {strides = array<i32>} : memref<128x64xf32, #tpu.memory_space<vmem>>, vector<1x16xf32>,
          %get3A_170 = vector.shape_cast %get3A_169 : vector<1x16xf32> to vector<16xf32>
          %add3A_171 = arith.addf %add3A_149, %get3A_170 : vector<16xf32>
          %scan3A_172 = arith.constant 2 : i32
          %scan3A_173 = arith.addi %scan3A_126, %scan3A_172 : i32
          %get3A_174 = arith.index_cast %scan3A_173 : i32 to index
          %get3A_175 = arith.constant 0 : index
          %get3A_176 = tpu.vector_load %arg8[%get3A_174, %get3A_175] {strides = array<i32>} : memref<128x64xf32, #tpu.memory_space<vmem>>, vector<1x16xf32>,
          %get3A_177 = vector.shape_cast %get3A_176 : vector<1x16xf32> to vector<16xf32>
          %add3A_178 = arith.addf %add3A_156, %get3A_177 : vector<16xf32>
          %get3A_179 = arith.index_cast %scan3A_173 : i32 to index
          %get3A_180 = arith.constant 16 : index
          %get3A_181 = tpu.vector_load %arg8[%get3A_179, %get3A_180] {strides = array<i32>} : memref<128x64xf32, #tpu.memory_space<vmem>>, vector<1x16xf32>,
          %get3A_182 = vector.shape_cast %get3A_181 : vector<1x16xf32> to vector<16xf32>
          %add3A_183 = arith.addf %add3A_161, %get3A_182 : vector<16xf32>
          %get3A_184 = arith.index_cast %scan3A_173 : i32 to index
          %get3A_185 = arith.constant 32 : index
          %get3A_186 = tpu.vector_load %arg8[%get3A_184, %get3A_185] {strides = array<i32>} : memref<128x64xf32, #tpu.memory_space<vmem>>, vector<1x16xf32>,
          %get3A_187 = vector.shape_cast %get3A_186 : vector<1x16xf32> to vector<16xf32>
          %add3A_188 = arith.addf %add3A_166, %get3A_187 : vector<16xf32>
          %get3A_189 = arith.index_cast %scan3A_173 : i32 to index
          %get3A_190 = arith.constant 48 : index
          %get3A_191 = tpu.vector_load %arg8[%get3A_189, %get3A_190] {strides = array<i32>} : memref<128x64xf32, #tpu.memory_space<vmem>>, vector<1x16xf32>,
          %get3A_192 = vector.shape_cast %get3A_191 : vector<1x16xf32> to vector<16xf32>
          %add3A_193 = arith.addf %add3A_171, %get3A_192 : vector<16xf32>
          %scan3A_194 = arith.constant 3 : i32
          %scan3A_195 = arith.addi %scan3A_126, %scan3A_194 : i32
          %get3A_196 = arith.index_cast %scan3A_195 : i32 to index
          %get3A_197 = arith.constant 0 : index
          %get3A_198 = tpu.vector_load %arg8[%get3A_196, %get3A_197] {strides = array<i32>} : memref<128x64xf32, #tpu.memory_space<vmem>>, vector<1x16xf32>,
          %get3A_199 = vector.shape_cast %get3A_198 : vector<1x16xf32> to vector<16xf32>
          %add3A_200 = arith.addf %add3A_178, %get3A_199 : vector<16xf32>
          %get3A_201 = arith.index_cast %scan3A_195 : i32 to index
          %get3A_202 = arith.constant 16 : index
          %get3A_203 = tpu.vector_load %arg8[%get3A_201, %get3A_202] {strides = array<i32>} : memref<128x64xf32, #tpu.memory_space<vmem>>, vector<1x16xf32>,
          %get3A_204 = vector.shape_cast %get3A_203 : vector<1x16xf32> to vector<16xf32>
          %add3A_205 = arith.addf %add3A_183, %get3A_204 : vector<16xf32>
          %get3A_206 = arith.index_cast %scan3A_195 : i32 to index
          %get3A_207 = arith.constant 32 : index
          %get3A_208 = tpu.vector_load %arg8[%get3A_206, %get3A_207] {strides = array<i32>} : memref<128x64xf32, #tpu.memory_space<vmem>>, vector<1x16xf32>,
          %get3A_209 = vector.shape_cast %get3A_208 : vector<1x16xf32> to vector<16xf32>
          %add3A_210 = arith.addf %add3A_188, %get3A_209 : vector<16xf32>
          %get3A_211 = arith.index_cast %scan3A_195 : i32 to index
          %get3A_212 = arith.constant 48 : index
          %get3A_213 = tpu.vector_load %arg8[%get3A_211, %get3A_212] {strides = array<i32>} : memref<128x64xf32, #tpu.memory_space<vmem>>, vector<1x16xf32>,
          %get3A_214 = vector.shape_cast %get3A_213 : vector<1x16xf32> to vector<16xf32>
          %add3A_215 = arith.addf %add3A_193, %get3A_214 : vector<16xf32>
          scf.yield %add3A_200, %add3A_205, %add3A_210, %add3A_215 : vector<16xf32>, vector<16xf32>, vector<16xf32>, vector<16xf32>
        }
        %scan3A_91 = arith.constant 128 : i32
        %scan3A_92 = arith.constant 0 : i32
        %scan3A_93 = arith.constant 72 : i32
        %scan3A_94 = arith.addi %scan3A_92, %scan3A_93 : i32
        %scan3A_95 = arith.constant 4 : i32
        %scan3A_96:4 = scf.for %scan3A_126 = %scan3A_92 to %scan3A_94 step %scan3A_95 iter_args(%scan3A_127 = %scan3A_90#0, %scan3A_128 = %scan3A_90#1, %scan3A_129 = %scan3A_90#2, %scan3A_130 = %scan3A_90#3) -> (vector<16xf32>, vector<16xf32>, vector<16xf32>, vector<16xf32>)  : i32 {
          %get3A = arith.index_cast %scan3A_126 : i32 to index
          %get3A_131 = arith.constant 0 : index
          %get3A_132 = tpu.vector_load %arg9[%get3A, %get3A_131] {strides = array<i32>} : memref<72x64xf32, #tpu.memory_space<vmem>>, vector<1x16xf32>,
          %get3A_133 = vector.shape_cast %get3A_132 : vector<1x16xf32> to vector<16xf32>
          %add3A_134 = arith.addf %scan3A_127, %get3A_133 : vector<16xf32>
          %get3A_135 = arith.index_cast %scan3A_126 : i32 to index
          %get3A_136 = arith.constant 16 : index
          %get3A_137 = tpu.vector_load %arg9[%get3A_135, %get3A_136] {strides = array<i32>} : memref<72x64xf32, #tpu.memory_space<vmem>>, vector<1x16xf32>,
          %get3A_138 = vector.shape_cast %get3A_137 : vector<1x16xf32> to vector<16xf32>
          %add3A_139 = arith.addf %scan3A_128, %get3A_138 : vector<16xf32>
          %get3A_140 = arith.index_cast %scan3A_126 : i32 to index
          %get3A_141 = arith.constant 32 : index
          %get3A_142 = tpu.vector_load %arg9[%get3A_140, %get3A_141] {strides = array<i32>} : memref<72x64xf32, #tpu.memory_space<vmem>>, vector<1x16xf32>,
          %get3A_143 = vector.shape_cast %get3A_142 : vector<1x16xf32> to vector<16xf32>
          %add3A_144 = arith.addf %scan3A_129, %get3A_143 : vector<16xf32>
          %get3A_145 = arith.index_cast %scan3A_126 : i32 to index
          %get3A_146 = arith.constant 48 : index
          %get3A_147 = tpu.vector_load %arg9[%get3A_145, %get3A_146] {strides = array<i32>} : memref<72x64xf32, #tpu.memory_space<vmem>>, vector<1x16xf32>,
          %get3A_148 = vector.shape_cast %get3A_147 : vector<1x16xf32> to vector<16xf32>
          %add3A_149 = arith.addf %scan3A_130, %get3A_148 : vector<16xf32>
          %scan3A_150 = arith.constant 1 : i32
          %scan3A_151 = arith.addi %scan3A_126, %scan3A_150 : i32
          %get3A_152 = arith.index_cast %scan3A_151 : i32 to index
          %get3A_153 = arith.constant 0 : index
          %get3A_154 = tpu.vector_load %arg9[%get3A_152, %get3A_153] {strides = array<i32>} : memref<72x64xf32, #tpu.memory_space<vmem>>, vector<1x16xf32>,
          %get3A_155 = vector.shape_cast %get3A_154 : vector<1x16xf32> to vector<16xf32>
          %add3A_156 = arith.addf %add3A_134, %get3A_155 : vector<16xf32>
          %get3A_157 = arith.index_cast %scan3A_151 : i32 to index
          %get3A_158 = arith.constant 16 : index
          %get3A_159 = tpu.vector_load %arg9[%get3A_157, %get3A_158] {strides = array<i32>} : memref<72x64xf32, #tpu.memory_space<vmem>>, vector<1x16xf32>,
          %get3A_160 = vector.shape_cast %get3A_159 : vector<1x16xf32> to vector<16xf32>
          %add3A_161 = arith.addf %add3A_139, %get3A_160 : vector<16xf32>
          %get3A_162 = arith.index_cast %scan3A_151 : i32 to index
          %get3A_163 = arith.constant 32 : index
          %get3A_164 = tpu.vector_load %arg9[%get3A_162, %get3A_163] {strides = array<i32>} : memref<72x64xf32, #tpu.memory_space<vmem>>, vector<1x16xf32>,
          %get3A_165 = vector.shape_cast %get3A_164 : vector<1x16xf32> to vector<16xf32>
          %add3A_166 = arith.addf %add3A_144, %get3A_165 : vector<16xf32>
          %get3A_167 = arith.index_cast %scan3A_151 : i32 to index
          %get3A_168 = arith.constant 48 : index
          %get3A_169 = tpu.vector_load %arg9[%get3A_167, %get3A_168] {strides = array<i32>} : memref<72x64xf32, #tpu.memory_space<vmem>>, vector<1x16xf32>,
          %get3A_170 = vector.shape_cast %get3A_169 : vector<1x16xf32> to vector<16xf32>
          %add3A_171 = arith.addf %add3A_149, %get3A_170 : vector<16xf32>
          %scan3A_172 = arith.constant 2 : i32
          %scan3A_173 = arith.addi %scan3A_126, %scan3A_172 : i32
          %get3A_174 = arith.index_cast %scan3A_173 : i32 to index
          %get3A_175 = arith.constant 0 : index
          %get3A_176 = tpu.vector_load %arg9[%get3A_174, %get3A_175] {strides = array<i32>} : memref<72x64xf32, #tpu.memory_space<vmem>>, vector<1x16xf32>,
          %get3A_177 = vector.shape_cast %get3A_176 : vector<1x16xf32> to vector<16xf32>
          %add3A_178 = arith.addf %add3A_156, %get3A_177 : vector<16xf32>
          %get3A_179 = arith.index_cast %scan3A_173 : i32 to index
          %get3A_180 = arith.constant 16 : index
          %get3A_181 = tpu.vector_load %arg9[%get3A_179, %get3A_180] {strides = array<i32>} : memref<72x64xf32, #tpu.memory_space<vmem>>, vector<1x16xf32>,
          %get3A_182 = vector.shape_cast %get3A_181 : vector<1x16xf32> to vector<16xf32>
          %add3A_183 = arith.addf %add3A_161, %get3A_182 : vector<16xf32>
          %get3A_184 = arith.index_cast %scan3A_173 : i32 to index
          %get3A_185 = arith.constant 32 : index
          %get3A_186 = tpu.vector_load %arg9[%get3A_184, %get3A_185] {strides = array<i32>} : memref<72x64xf32, #tpu.memory_space<vmem>>, vector<1x16xf32>,
          %get3A_187 = vector.shape_cast %get3A_186 : vector<1x16xf32> to vector<16xf32>
          %add3A_188 = arith.addf %add3A_166, %get3A_187 : vector<16xf32>
          %get3A_189 = arith.index_cast %scan3A_173 : i32 to index
          %get3A_190 = arith.constant 48 : index
          %get3A_191 = tpu.vector_load %arg9[%get3A_189, %get3A_190] {strides = array<i32>} : memref<72x64xf32, #tpu.memory_space<vmem>>, vector<1x16xf32>,
          %get3A_192 = vector.shape_cast %get3A_191 : vector<1x16xf32> to vector<16xf32>
          %add3A_193 = arith.addf %add3A_171, %get3A_192 : vector<16xf32>
          %scan3A_194 = arith.constant 3 : i32
          %scan3A_195 = arith.addi %scan3A_126, %scan3A_194 : i32
          %get3A_196 = arith.index_cast %scan3A_195 : i32 to index
          %get3A_197 = arith.constant 0 : index
          %get3A_198 = tpu.vector_load %arg9[%get3A_196, %get3A_197] {strides = array<i32>} : memref<72x64xf32, #tpu.memory_space<vmem>>, vector<1x16xf32>,
          %get3A_199 = vector.shape_cast %get3A_198 : vector<1x16xf32> to vector<16xf32>
          %add3A_200 = arith.addf %add3A_178, %get3A_199 : vector<16xf32>
          %get3A_201 = arith.index_cast %scan3A_195 : i32 to index
          %get3A_202 = arith.constant 16 : index
          %get3A_203 = tpu.vector_load %arg9[%get3A_201, %get3A_202] {strides = array<i32>} : memref<72x64xf32, #tpu.memory_space<vmem>>, vector<1x16xf32>,
          %get3A_204 = vector.shape_cast %get3A_203 : vector<1x16xf32> to vector<16xf32>
          %add3A_205 = arith.addf %add3A_183, %get3A_204 : vector<16xf32>
          %get3A_206 = arith.index_cast %scan3A_195 : i32 to index
          %get3A_207 = arith.constant 32 : index
          %get3A_208 = tpu.vector_load %arg9[%get3A_206, %get3A_207] {strides = array<i32>} : memref<72x64xf32, #tpu.memory_space<vmem>>, vector<1x16xf32>,
          %get3A_209 = vector.shape_cast %get3A_208 : vector<1x16xf32> to vector<16xf32>
          %add3A_210 = arith.addf %add3A_188, %get3A_209 : vector<16xf32>
          %get3A_211 = arith.index_cast %scan3A_195 : i32 to index
          %get3A_212 = arith.constant 48 : index
          %get3A_213 = tpu.vector_load %arg9[%get3A_211, %get3A_212] {strides = array<i32>} : memref<72x64xf32, #tpu.memory_space<vmem>>, vector<1x16xf32>,
          %get3A_214 = vector.shape_cast %get3A_213 : vector<1x16xf32> to vector<16xf32>
          %add3A_215 = arith.addf %add3A_193, %get3A_214 : vector<16xf32>
          scf.yield %add3A_200, %add3A_205, %add3A_210, %add3A_215 : vector<16xf32>, vector<16xf32>, vector<16xf32>, vector<16xf32>
        }
        %scan3A_97 = arith.constant 72 : i32
        %mul3A_98 = vector.broadcast %scan3A : f32 to vector<16xf32>
        %mul3A_99 = arith.mulf %scan3A_96#0, %mul3A_98 : vector<16xf32>
        %swap3A_100 = arith.index_cast %add3A_33 : i32 to index
        %swap3A_101 = arith.constant 0 : index
        %swap3A_102 = tpu.vector_load %arg10[%swap3A_100, %swap3A_101] {strides = array<i32>} : memref<32x128xf32, #tpu.memory_space<vmem>>, vector<1x16xf32>,
        %swap3A_103 = vector.shape_cast %swap3A_102 : vector<1x16xf32> to vector<16xf32>
        %swap3A_104 = vector.shape_cast %mul3A_99 : vector<16xf32> to vector<1x16xf32>
        tpu.vector_store %arg10[%swap3A_100, %swap3A_101], %swap3A_104 {strides = array<i32>} : memref<32x128xf32, #tpu.memory_space<vmem>>, vector<1x16xf32>,
        %mul3A_105 = vector.broadcast %scan3A : f32 to vector<16xf32>
        %mul3A_106 = arith.mulf %scan3A_96#1, %mul3A_105 : vector<16xf32>
        %swap3A_107 = arith.index_cast %add3A_33 : i32 to index
        %swap3A_108 = arith.constant 16 : index
        %swap3A_109 = tpu.vector_load %arg10[%swap3A_107, %swap3A_108] {strides = array<i32>} : memref<32x128xf32, #tpu.memory_space<vmem>>, vector<1x16xf32>,
        %swap3A_110 = vector.shape_cast %swap3A_109 : vector<1x16xf32> to vector<16xf32>
        %swap3A_111 = vector.shape_cast %mul3A_106 : vector<16xf32> to vector<1x16xf32>
        tpu.vector_store %arg10[%swap3A_107, %swap3A_108], %swap3A_111 {strides = array<i32>} : memref<32x128xf32, #tpu.memory_space<vmem>>, vector<1x16xf32>,
        %mul3A_112 = vector.broadcast %scan3A : f32 to vector<16xf32>
        %mul3A_113 = arith.mulf %scan3A_96#2, %mul3A_112 : vector<16xf32>
        %swap3A_114 = arith.index_cast %add3A_33 : i32 to index
        %swap3A_115 = arith.constant 32 : index
        %swap3A_116 = tpu.vector_load %arg10[%swap3A_114, %swap3A_115] {strides = array<i32>} : memref<32x128xf32, #tpu.memory_space<vmem>>, vector<1x16xf32>,
        %swap3A_117 = vector.shape_cast %swap3A_116 : vector<1x16xf32> to vector<16xf32>
        %swap3A_118 = vector.shape_cast %mul3A_113 : vector<16xf32> to vector<1x16xf32>
        tpu.vector_store %arg10[%swap3A_114, %swap3A_115], %swap3A_118 {strides = array<i32>} : memref<32x128xf32, #tpu.memory_space<vmem>>, vector<1x16xf32>,
        %mul3A_119 = vector.broadcast %scan3A : f32 to vector<16xf32>
        %mul3A_120 = arith.mulf %scan3A_96#3, %mul3A_119 : vector<16xf32>
        %swap3A_121 = arith.index_cast %add3A_33 : i32 to index
        %swap3A_122 = arith.constant 48 : index
        %swap3A_123 = tpu.vector_load %arg10[%swap3A_121, %swap3A_122] {strides = array<i32>} : memref<32x128xf32, #tpu.memory_space<vmem>>, vector<1x16xf32>,
        %swap3A_124 = vector.shape_cast %swap3A_123 : vector<1x16xf32> to vector<16xf32>
        %swap3A_125 = vector.shape_cast %mul3A_120 : vector<16xf32> to vector<1x16xf32>
        tpu.vector_store %arg10[%swap3A_121, %swap3A_122], %swap3A_125 {strides = array<i32>} : memref<32x128xf32, #tpu.memory_space<vmem>>, vector<1x16xf32>,
      } else {
      }
      %broadcast_in_dim3A = arith.constant 0.000000e+00 : f32
      %broadcast_in_dim3A_52 = vector.broadcast %broadcast_in_dim3A : f32 to vector<16xf32>
      %swap3A = arith.index_cast %add3A_33 : i32 to index
      %swap3A_53 = arith.constant 64 : index
      %swap3A_54 = tpu.vector_load %arg10[%swap3A, %swap3A_53] {strides = array<i32>} : memref<32x128xf32, #tpu.memory_space<vmem>>, vector<1x16xf32>,
      %swap3A_55 = vector.shape_cast %swap3A_54 : vector<1x16xf32> to vector<16xf32>
      %swap3A_56 = vector.shape_cast %broadcast_in_dim3A_52 : vector<16xf32> to vector<1x16xf32>
      tpu.vector_store %arg10[%swap3A, %swap3A_53], %swap3A_56 {strides = array<i32>} : memref<32x128xf32, #tpu.memory_space<vmem>>, vector<1x16xf32>,
      %swap3A_57 = arith.index_cast %add3A_33 : i32 to index
      %swap3A_58 = arith.constant 80 : index
      %swap3A_59 = tpu.vector_load %arg10[%swap3A_57, %swap3A_58] {strides = array<i32>} : memref<32x128xf32, #tpu.memory_space<vmem>>, vector<1x16xf32>,
      %swap3A_60 = vector.shape_cast %swap3A_59 : vector<1x16xf32> to vector<16xf32>
      %swap3A_61 = vector.shape_cast %broadcast_in_dim3A_52 : vector<16xf32> to vector<1x16xf32>
      tpu.vector_store %arg10[%swap3A_57, %swap3A_58], %swap3A_61 {strides = array<i32>} : memref<32x128xf32, #tpu.memory_space<vmem>>, vector<1x16xf32>,
      %swap3A_62 = arith.index_cast %add3A_33 : i32 to index
      %swap3A_63 = arith.constant 96 : index
      %swap3A_64 = tpu.vector_load %arg10[%swap3A_62, %swap3A_63] {strides = array<i32>} : memref<32x128xf32, #tpu.memory_space<vmem>>, vector<1x16xf32>,
      %swap3A_65 = vector.shape_cast %swap3A_64 : vector<1x16xf32> to vector<16xf32>
      %swap3A_66 = vector.shape_cast %broadcast_in_dim3A_52 : vector<16xf32> to vector<1x16xf32>
      tpu.vector_store %arg10[%swap3A_62, %swap3A_63], %swap3A_66 {strides = array<i32>} : memref<32x128xf32, #tpu.memory_space<vmem>>, vector<1x16xf32>,
      %swap3A_67 = arith.index_cast %add3A_33 : i32 to index
      %swap3A_68 = arith.constant 112 : index
      %swap3A_69 = tpu.vector_load %arg10[%swap3A_67, %swap3A_68] {strides = array<i32>} : memref<32x128xf32, #tpu.memory_space<vmem>>, vector<1x16xf32>,
      %swap3A_70 = vector.shape_cast %swap3A_69 : vector<1x16xf32> to vector<16xf32>
      %swap3A_71 = vector.shape_cast %broadcast_in_dim3A_52 : vector<16xf32> to vector<1x16xf32>
      tpu.vector_store %arg10[%swap3A_67, %swap3A_68], %swap3A_71 {strides = array<i32>} : memref<32x128xf32, #tpu.memory_space<vmem>>, vector<1x16xf32>,
      %add3A_72 = arith.constant 2 : i32
      %add3A_73 = arith.addi %add3A_33, %add3A_72 : i32
      %lt3A = arith.constant 32 : i32
      %lt3A_74 = arith.cmpi slt, %add3A_73, %lt3A : i32
      %convert_element_type3A_75 = arith.extui %lt3A_74 : i1 to i32
      %cond3A_76 = arith.constant 0 : i32
      %cond3A_77 = arith.cmpi ne, %convert_element_type3A_75, %cond3A_76 : i32
      scf.if %cond3A_77 {
        %eq3A_78 = arith.constant 0 : i32
        %eq3A_79 = arith.cmpi eq, %rem3A_34, %eq3A_78 : i32
        %convert_element_type3A_80 = arith.extui %eq3A_79 : i1 to i32
        %cond3A_81 = arith.constant 0 : i32
        %cond3A_82 = arith.cmpi ne, %convert_element_type3A_80, %cond3A_81 : i32
        scf.if %cond3A_82 {
          %add3A_88 = arith.constant 2 : i32
          %add3A_89 = arith.addi %add3A_33, %add3A_88 : i32
          %mul3A_90 = arith.constant 200 : i32
          %mul3A_91 = arith.muli %add3A_89, %mul3A_90 : i32
          %add3A_92 = arith.constant 0 : i32
          %add3A_93 = arith.addi %mul3A_91, %add3A_92 : i32
          %dma_start3A_94 = tpu.memref_slice %arg5[%add3A_93] : memref<6400xi32, #tpu.memory_space<vmem>> -> memref<128xi32, #tpu.memory_space<vmem>>
          %dma_start3A_95 = arith.constant 0 : i32
          %dma_start3A_96 = arith.constant 0 : i32
          %dma_start3A_97 = tpu.memref_slice %arg3[%dma_start3A_95, %dma_start3A_96] : memref<100000x64xf32, #tpu.memory_space<hbm>> -> memref<100000x64xf32, #tpu.memory_space<hbm>>
          tpu.enqueue_indirect_dma source(%dma_start3A_97 : memref<100000x64xf32, #tpu.memory_space<hbm>>) target(%arg6 : memref<128x64xf32, #tpu.memory_space<vmem>>) offsets(%dma_start3A_94 : memref<128xi32, #tpu.memory_space<vmem>>) semaphore(%arg11 : memref<!tpu.dma_semaphore, #tpu.memory_space<semaphore_mem>>)
          %mul3A_98 = arith.constant 200 : i32
          %mul3A_99 = arith.muli %add3A_89, %mul3A_98 : i32
          %add3A_100 = arith.constant 128 : i32
          %add3A_101 = arith.addi %mul3A_99, %add3A_100 : i32
          %dma_start3A_102 = tpu.memref_slice %arg5[%add3A_101] : memref<6400xi32, #tpu.memory_space<vmem>> -> memref<72xi32, #tpu.memory_space<vmem>>
          %dma_start3A_103 = arith.constant 0 : i32
          %dma_start3A_104 = arith.constant 0 : i32
          %dma_start3A_105 = tpu.memref_slice %arg3[%dma_start3A_103, %dma_start3A_104] : memref<100000x64xf32, #tpu.memory_space<hbm>> -> memref<100000x64xf32, #tpu.memory_space<hbm>>
          tpu.enqueue_indirect_dma source(%dma_start3A_105 : memref<100000x64xf32, #tpu.memory_space<hbm>>) target(%arg7 : memref<72x64xf32, #tpu.memory_space<vmem>>) offsets(%dma_start3A_102 : memref<72xi32, #tpu.memory_space<vmem>>) semaphore(%arg11 : memref<!tpu.dma_semaphore, #tpu.memory_space<semaphore_mem>>)
        } else {
        }
        %eq3A_83 = arith.constant 1 : i32
        %eq3A_84 = arith.cmpi eq, %rem3A_34, %eq3A_83 : i32
        %convert_element_type3A_85 = arith.extui %eq3A_84 : i1 to i32
        %cond3A_86 = arith.constant 0 : i32
        %cond3A_87 = arith.cmpi ne, %convert_element_type3A_85, %cond3A_86 : i32
        scf.if %cond3A_87 {
          %add3A_88 = arith.constant 2 : i32
          %add3A_89 = arith.addi %add3A_33, %add3A_88 : i32
          %mul3A_90 = arith.constant 200 : i32
          %mul3A_91 = arith.muli %add3A_89, %mul3A_90 : i32
          %add3A_92 = arith.constant 0 : i32
          %add3A_93 = arith.addi %mul3A_91, %add3A_92 : i32
          %dma_start3A_94 = tpu.memref_slice %arg5[%add3A_93] : memref<6400xi32, #tpu.memory_space<vmem>> -> memref<128xi32, #tpu.memory_space<vmem>>
          %dma_start3A_95 = arith.constant 0 : i32
          %dma_start3A_96 = arith.constant 0 : i32
          %dma_start3A_97 = tpu.memref_slice %arg3[%dma_start3A_95, %dma_start3A_96] : memref<100000x64xf32, #tpu.memory_space<hbm>> -> memref<100000x64xf32, #tpu.memory_space<hbm>>
          tpu.enqueue_indirect_dma source(%dma_start3A_97 : memref<100000x64xf32, #tpu.memory_space<hbm>>) target(%arg8 : memref<128x64xf32, #tpu.memory_space<vmem>>) offsets(%dma_start3A_94 : memref<128xi32, #tpu.memory_space<vmem>>) semaphore(%arg12 : memref<!tpu.dma_semaphore, #tpu.memory_space<semaphore_mem>>)
          %mul3A_98 = arith.constant 200 : i32
          %mul3A_99 = arith.muli %add3A_89, %mul3A_98 : i32
          %add3A_100 = arith.constant 128 : i32
          %add3A_101 = arith.addi %mul3A_99, %add3A_100 : i32
          %dma_start3A_102 = tpu.memref_slice %arg5[%add3A_101] : memref<6400xi32, #tpu.memory_space<vmem>> -> memref<72xi32, #tpu.memory_space<vmem>>
          %dma_start3A_103 = arith.constant 0 : i32
          %dma_start3A_104 = arith.constant 0 : i32
          %dma_start3A_105 = tpu.memref_slice %arg3[%dma_start3A_103, %dma_start3A_104] : memref<100000x64xf32, #tpu.memory_space<hbm>> -> memref<100000x64xf32, #tpu.memory_space<hbm>>
          tpu.enqueue_indirect_dma source(%dma_start3A_105 : memref<100000x64xf32, #tpu.memory_space<hbm>>) target(%arg9 : memref<72x64xf32, #tpu.memory_space<vmem>>) offsets(%dma_start3A_102 : memref<72xi32, #tpu.memory_space<vmem>>) semaphore(%arg12 : memref<!tpu.dma_semaphore, #tpu.memory_space<semaphore_mem>>)
        } else {
        }
      } else {
      }
    }
    %scan3A_28 = arith.constant 32 : i32
    "tpu.region"() ({
      %run_scoped3A = tpu.sem_alloc : memref<!tpu.dma_semaphore, #tpu.memory_space<semaphore_mem>>
      %dma_start3A_29 = arith.constant 0 : i32
      %dma_start3A_30 = tpu.memref_slice %arg4[%mul3A_2, %dma_start3A_29] : memref<1024x128xf32, #tpu.memory_space<hbm>> -> memref<32x128xf32, #tpu.memory_space<hbm>>
      %dma_start3A_31 = arith.constant 0 : i32
      %dma_start3A_32 = tpu.memref_slice %arg4[%mul3A_2, %dma_start3A_31] : memref<1024x128xf32, #tpu.memory_space<hbm>> -> memref<32x128xf32, #tpu.memory_space<hbm>>
      tpu.enqueue_dma source(%arg10 : memref<32x128xf32, #tpu.memory_space<vmem>>) target(%dma_start3A_32 : memref<32x128xf32, #tpu.memory_space<hbm>>) target_semaphore(%run_scoped3A : memref<!tpu.dma_semaphore, #tpu.memory_space<semaphore_mem>>)
      %dma_wait3A = arith.constant 0 : i32
      %dma_wait3A_33 = tpu.memref_slice %arg4[%mul3A_2, %dma_wait3A] : memref<1024x128xf32, #tpu.memory_space<hbm>> -> memref<32x128xf32, #tpu.memory_space<hbm>>
      %dma_wait3A_34 = arith.constant 0 : i32
      %dma_wait3A_35 = tpu.memref_slice %arg4[%mul3A_2, %dma_wait3A_34] : memref<1024x128xf32, #tpu.memory_space<hbm>> -> memref<32x128xf32, #tpu.memory_space<hbm>>
      tpu.wait_dma2 semaphore(%run_scoped3A : memref<!tpu.dma_semaphore, #tpu.memory_space<semaphore_mem>>) src(%arg10 : memref<32x128xf32, #tpu.memory_space<vmem>>) dst(%dma_wait3A_35 : memref<32x128xf32, #tpu.memory_space<hbm>>)
      tpu.yield
    }) : () -> ()
    return
  }
}

</mosaic_0001>

<sc_bundles>
// kernel: _sc_pool.3.cloned.1.call-start
scs
__scs_entry_jumppad:
0x0: {  	(pc) =	sbr.rel $0x88, $3  }
0x1: {  	(tag) =	ssettag $0x0;
	lr =	simm.s32 $0x1  }
0x2: {  	[smem:$0x3F9F] =	sst lr;
	_ =	strace $0xD0000000  }
0x3: {  	_ = 	snop  }
0x4: {  	_ = 	snop  }
0x5: {  	_ = 	snop  }
0x6: {  	_ = 	snop  }
0x7: {  	_ = 	snop  }
__scs_overlays_trampoline_lowered:
0x8: {  	[smem:$0x3FAE] =	sst s0  }
0x9: {  	[smem:$0x3FAF] =	sst s1  }
0xa: {  	[smem:$0x3FB0] =	sst s2  }
0xb: {  	[smem:$0x3FB1] =	sst s3  }
0xc: {  	[smem:$0x3FB2] =	sst s4  }
0xd: {  	[smem:$0x3FB3] =	sst s5  }
0xe: {  	[smem:$0x3FB4] =	sst s6  }
0xf: {  	[smem:$0x3FB5] =	sst s7  }
0x10: {  	[smem:$0x3FB6] =	sst s8  }
0x11: {  	[smem:$0x3FB7] =	sst s9;
	s0 =	simm.s32 @!p0 $0x0  }
0x12: {  	s1 =	sld [smem:$0x3F9D];
	s0 =	simm.s32 @p0 $0x1  }
0x13: {  	[smem:$0x3FB8] =	sst s0;
	s0 =	simm.s32 @!p1 $0x0  }
0x14: {  	s2 =	sld [smem:$0x3F9C];
	s0 =	simm.s32 @p1 $0x1  }
0x15: {  	[smem:$0x3FB9] =	sst s0;
	s0 =	simm.s32 @!p2 $0x0  }
0x16: {  	s3 =	sld [smem:$0x3FDB];
	s0 =	simm.s32 @p2 $0x1  }
0x17: {  	s4 =	simm.s32 $0x1BF5;
	[smem:$0x3FBB] =	sst s0  }
0x18: {  	s0 =	sld [smem:$0x3F9E];
	_ =	swait.ge [sflag:s4], $0x0  }
0x19: {  	s7 =	sld [smem:$0x3F9F]  }
0x1a: {  	s8 =	sadd.s32 $0xFFFFE003, lr  }
0x1b: {  	s9 =	sadd.s32 $0xFFFFFEF7, lr;
	s5 =	simm.s32 $0xFFFFFFFF;
	p2 =	slt.u32 s8, $0xFFFFF086  }
0x1c: {  	p1 =	slt.u32 s9, $0xF7A;
	s5 =	simm.s32 @!p2 $0x0  }
0x1d: {  	s5 =	simm.s32 @p1 $0x1;
	p0 =	seq.s32 s7, s2  }
0x1e: {  	s7 =	smul.u32 @!p0 $0xF7A, s2;
	p2 =	seq.s32 @!p0 s5, $0x0  }
0x1f: {  	s9 =	smul.u32 $0xF7A, s1;
	s8 =	simm.s32 @!p0 $0x1BF5;
	p2 =	por !p2, p0  }
0x20: {  	[sflag:s8] =	ssyncset.s32 @!p0 $0xFFFFF086;
	s6 =	sadd.s32 @!p0 s3, s7;
	s7 =	simm.s32 @!p0 $0x108  }
0x21: {  	s3 =	sadd.s32 s3, s9;
	s6 =	sadd.s32 @!p0 $0x88, s6;
	s7 =	simm.s32 @p2 $0x1082  }
0x22: {  	[simem:s7], [sflag:s8] =	dma.local @!p0 [hbm:s6], $0xF7A  }
0x23: {  	s9 =	sor.u32 $0xD0000000, s2;
	s6 =	simm.s32 $0x108;
	_ =	swait.ge @!p0 [sflag:s8], $0x0  }
0x24: {  	s3 =	sadd.s32 $0x88, s3;
	s6 =	simm.s32 @!p1 $0x1082;
	[sflag:s4] =	ssyncset.s32 $0xFFFFF086  }
0x25: {  	[simem:s6], [sflag:s4] =	dma.local [hbm:s3], $0xF7A  }
0x26: {  	[smem:$0x3F9F] =	sst s1;
	(tag) =	ssettag s2;
	_ =	strace s9  }
0x27: {  	s1 =	sld [smem:$0x3FAF]  }
0x28: {  	s2 =	sld [smem:$0x3FB0]  }
0x29: {  	s4 =	sld [smem:$0x3FB2]  }
0x2a: {  	p0 =	seq.s32 s5, $0x0;
	s5 =	sld [smem:$0x3FB3]  }
0x2b: {  	s6 =	sld [smem:$0x3FB4]  }
0x2c: {  	s7 =	sld [smem:$0x3FB5]  }
0x2d: {  	s3 =	simm.s32 $0x108;
	s8 =	sld [smem:$0x3FB6]  }
0x2e: {  	s3 =	simm.s32 @!p0 $0x1082;
	s9 =	sld [smem:$0x3FB7]  }
0x2f: {  	lr =	sadd.s32 s0, s3;
	s0 =	sld [smem:$0x3FAE]  }
0x30: {  	s3 =	sld [smem:$0x3FB1]  }
0x31: {  	[smem:$0x3FBA] =	sst s10  }
0x32: {  	s10 =	sld [smem:$0x3FB8];
	_ =	sdelay $0x3  }
0x33: {  	p0 =	seq.s32 s10, $0x1;
	s10 =	sld [smem:$0x3FBA];
	_ =	sdelay $0x3  }
0x34: {  	[smem:$0x3FBA] =	sst s10  }
0x35: {  	s10 =	sld [smem:$0x3FB9];
	_ =	sdelay $0x3  }
0x36: {  	p1 =	seq.s32 s10, $0x1;
	s10 =	sld [smem:$0x3FBA];
	_ =	sdelay $0x3  }
0x37: {  	[smem:$0x3FBA] =	sst s10  }
0x38: {  	s10 =	sld [smem:$0x3FBB]  }
0x39: {  	_ = 	snop;
	(pc) =	sbr.ind lr, $3  }
0x3a: {  	_ = 	snop  }
0x3b: {  	_ = 	snop  }
0x3c: {  	p2 =	seq.s32 s10, $0x1;
	s10 =	sld [smem:$0x3FBA]  }
0x3d: {  	_ =	shalt  }
0x3e: {  	_ =	shalt  }
0x3f: {  	_ =	shalt  }
0x40: {  	_ =	shalt  }
0x41: {  	_ =	shalt  }
0x42: {  	_ =	shalt  }
0x43: {  	_ =	shalt  }
0x44: {  	_ =	shalt  }
0x45: {  	_ =	shalt  }
0x46: {  	_ =	shalt  }
0x47: {  	_ =	shalt  }
0x48: {  	_ =	shalt  }
0x49: {  	_ =	shalt  }
0x4a: {  	_ =	shalt  }
0x4b: {  	_ =	shalt  }
0x4c: {  	_ =	shalt  }
0x4d: {  	_ =	shalt  }
0x4e: {  	_ =	shalt  }
0x4f: {  	_ =	shalt  }
0x50: {  	_ =	shalt  }
0x51: {  	_ =	shalt  }
0x52: {  	_ =	shalt  }
0x53: {  	_ =	shalt  }
0x54: {  	_ =	shalt  }
0x55: {  	_ =	shalt  }
0x56: {  	_ =	shalt  }
0x57: {  	_ =	shalt  }
0x58: {  	_ =	shalt  }
0x59: {  	_ =	shalt  }
0x5a: {  	_ =	shalt  }
0x5b: {  	_ =	shalt  }
0x5c: {  	_ =	shalt  }
0x5d: {  	_ =	shalt  }
0x5e: {  	_ =	shalt  }
0x5f: {  	_ =	shalt  }
0x60: {  	_ =	shalt  }
0x61: {  	_ =	shalt  }
0x62: {  	_ =	shalt  }
0x63: {  	_ =	shalt  }
0x64: {  	_ =	shalt  }
0x65: {  	_ =	shalt  }
0x66: {  	_ =	shalt  }
0x67: {  	_ =	shalt  }
0x68: {  	_ =	shalt  }
0x69: {  	_ =	shalt  }
0x6a: {  	_ =	shalt  }
0x6b: {  	_ =	shalt  }
0x6c: {  	_ =	shalt  }
0x6d: {  	_ =	shalt  }
0x6e: {  	_ =	shalt  }
0x6f: {  	_ =	shalt  }
0x70: {  	_ =	shalt  }
0x71: {  	_ =	shalt  }
0x72: {  	_ =	shalt  }
0x73: {  	_ =	shalt  }
0x74: {  	_ =	shalt  }
0x75: {  	_ =	shalt  }
0x76: {  	_ =	shalt  }
0x77: {  	_ =	shalt  }
0x78: {  	_ =	shalt  }
0x79: {  	_ =	shalt  }
0x7a: {  	_ =	shalt  }
0x7b: {  	_ =	shalt  }
0x7c: {  	_ =	shalt  }
0x7d: {  	_ =	shalt  }
0x7e: {  	_ =	shalt  }
0x7f: {  	_ =	shalt  }
0x80: {  	_ =	shalt  }
0x81: {  	_ =	shalt  }
0x82: {  	_ =	shalt  }
0x83: {  	_ =	shalt  }
0x84: {  	_ =	shalt  }
0x85: {  	_ =	shalt  }
0x86: {  	_ =	shalt  }
0x87: {  	_ =	shalt  }
.Lfunc_end0:
.L_simem_size_0:
called_computation_lowered:
.L_overlay_start_0:
0x88: {  	s2 =	sld [smem:$0x3FD9]  }
0x89: {  	s3 =	sld [smem:$0x3FFE];
	_ =	sdelay $0x1  }
0x8a: {  	s1 =	srdreg.scid  }
0x8b: {  	s0 =	sand.u32 $0x1, s1  }
0x8c: {  	s17 =	sshll.u32 s0, $0xA;
	s2 =	sadd.s32 s3, s2  }
0x8d: {  	s2 =	sadd.s32 s2, s17  }
0x8e: {  	[smem:$0x3FC6] =	sst s2  }
0x8f: {  	_ = 	snop  }
0x90: {  	s2 =	sld [smem:$0x3FC9]  }
0x91: {  	s18 =	sld [smem:$0x3FD0];
	(tm) =	ssettm $0x1  }
0x92: {  	s4 =	sld [smem:$0x3FFB];
	_ =	sdelay $0x3  }
0x93: {  	_ =	strace s4  }
0x94: {  	s4 =	sld [smem:$0x3FFC];
	_ =	sdelay $0x3  }
0x95: {  	_ =	strace s4  }
0x96: {  	s4 =	sld [smem:$0x3FFD];
	_ =	sdelay $0x3  }
0x97: {  	_ =	strace s4  }
0x98: {  	_ =	strace $0x8FFFFFFF  }
0x99: {  	s19 =	sld [smem:$0x3FDB];
	_ =	sdelay $0x1  }
0x9a: {  	s5 =	simm.s32 $_scs_section_size  }
0x9b: {  	s6 =	simm.s32 $_size__tile_overlayer_lowered;
	s7 =	simm.s32 $_tile_overlayer_lowered  }
0x9c: {  	s22 =	simm.s32 $0x1BFF;
	s21 =	sshll.u32 s7, $0x1;
	s4 =	sadd.s32 s5, s19  }
0x9d: {  	s8 =	simm.s32 $0x0;
	s20 =	sshll.u32 s6, $0x1;
	s6 =	sadd.s32 s21, s4  }
0x9e: {  	[timem:s8], [sflag:s22] =	dma.local [hbm:s6], s20  }
0x9f: {  	_ =	swait.ge [sflag:s22], s20  }
0xa0: {  	s5 =	ssub.s32 $0x0, s20;
	[sflag:s22] =	ssyncset.done $0x0  }
0xa1: {  	[sflag:s22] =	ssyncadd.s32 s5;
	_ =	sdelay $0x1  }
0xa2: {  	s23 =	simm.s32 $0x1B8B  }
0xa3: {  	_ =	swait.ge [sflag:s23], $0x1  }
0xa4: {  	[sflag:s23] =	ssyncset.done $0x0  }
0xa5: {  	s25 =	simm.s32 $0x1B8E;
	s24 =	sld [smem:$0x3FFE];
	[sflag:s23] =	ssyncadd.s32 $0xFFFFFFFF  }
0xa6: {  	s26 =	simm.s32 $execute0_lowered;
	[smem:$0x3FD2] =	sst s25  }
0xa7: {  	s6 =	sshll.u32 s26, $0x1;
	_ =	strace $0x80000046;
	[dreg:$0x1] =	wrdreg $0xFFFFFFFF  }
0xa8: {  	s28 =	simm.s32 $_size_execute0_lowered;
	s4 =	sadd.s32 s4, s6;
	[dreg:$0x0] =	wrdreg $0x0  }
0xa9: {  	s6 =	sshll.u32 s28, $0x1;
	[dreg:$0x2] =	wrdreg s4  }
0xaa: {  	[dreg:$0x3] =	wrdreg s6  }
0xab: {  	[dreg:$0x4] =	wrdreg $0xC0  }
0xac: {  	_ =	task [dreg:s8], $0x5FFFF  }
0xad: {  	[dreg:$0x1] =	wrdreg $0xFFFFFFFF  }
0xae: {  	[dreg:$0x0] =	wrdreg $0x60  }
0xaf: {  	[dreg:$0x2] =	wrdreg s2  }
0xb0: {  	[dreg:$0x3] =	wrdreg s24  }
0xb1: {  	[dreg:$0x4] =	wrdreg s18  }
0xb2: {  	[dreg:$0x5] =	wrdreg $0x9  }
0xb3: {  	_ =	task.clear_ibuf [dreg:s8], $0x6FFFF;
	_ =	strace $0x90000046  }
0xb4: {  	s29 =	simm.s32 $0x9;
	_ =	strace $0x80000048  }
0xb5: {  	_ =	swait.ge [sflag:s29], $0x1  }
0xb6: {  	[sflag:s29] =	ssyncadd.s32 $0xFFFFFFFF  }
0xb7: {  	_ =	strace $0x90000048  }
0xb8: {  	_ =	sfence  }
0xb9: {  	s30 =	sld [smem:$0x0];
	_ =	sdelay $0x2  }
0xba: {  	s31 =	sshll.u32 s1, $0xD;
	s1 =	sshrl.u32 s1, $0x2  }
0xbb: {  	s3 =	sand.u32 $0x4000, s31;
	s1 =	sadd.s32 s1, s30  }
0xbc: {  	s0 =	sor.u32 s3, s0;
	s1 =	sshll.u32 s1, $0x11  }
0xbd: {  	s0 =	sor.u32 s1, s0  }
0xbe: {  	s0 =	sadd.s32 $0x8F2B, s0  }
0xbf: {  	[sflag:s0] =	ssyncadd.remote.s32 $0x1  }
0xc0: {  	_ =	sfence.sel $0xFFFF  }
0xc1: {  	[dreg:$0x0] =	wrdreg $0xFFFFFFFF;
	(pc) =	sbr.abs _section_cstart, $3  }
0xc2: {  	[dreg:$0x1] =	wrdreg $0xFFFFFFFF  }
0xc3: {  	_ =	task.clear_ibuf [dreg:s8], $0x2FFFF;
	_ =	strace $0x9FFFFFFF  }
0xc4: {  	(tm) =	ssettm $0x7FFFFFFF  }
0xc5: {  	_ =	shalt  }
tec
execute0_lowered:
.L_overlay_start_1:
0x0: {  	(tag) =	ssettag $0x1  }
0x1: {  	s4 =	rddreg [dreg:$0x0]  }
0x2: {  	s3 =	rddreg [dreg:$0x1];
	s1 =	srdreg.scid  }
0x3: {  	s0 =	stileid.u32;
	s5 =	rddreg [dreg:$0x2]  }
0x4: {  	s2 =	simm.s32 $0x0;
	s10 =	simm.s32 $0x48;
	s11 =	simm.s32 $0x3900  }
0x5: {  	s12 =	simm.s32 $0xC8;
	s13 =	simm.s32 $0x4B00;
	s14 =	simm.s32 $0x148  }
0x6: {  	s15 =	simm.s32 $0x6B00;
	s16 =	simm.s32 $0x1;
	s17 =	simm.s32 $0x7D00  }
0x7: {  	s18 =	simm.s32 $0x2;
	s6 =	sand.u32 $0x1, s1;
	s1 =	rddreg [dreg:$0x3]  }
0x8: {  	s19 =	simm.s32 $0x0;
	s7 =	sshll.u32 s0, $0x1;
	[smem:$0x7FF] =	sst s2  }
.Ltmp0:
0x9: {  	s7 =	sor.u32 s6, s7;
	s6 =	ssub.s32 $0x2, s6;
	(pc) =	sbr.rel .LBB2_1-.Ltmp0, $4  }
0xa: {  	s3 =	sadd.s32 $0x186E00, s3;
	_ =	strace $0x80000047;
	s9 =	sshrl.u32 s6, $0x1  }
0xb: {  	s8 =	smul.u32 $0x320, s7;
	s7 =	sshll.u32 s7, $0x9;
	s6 =	ssub.s32 s6, s9  }
0xc: {  	s5 =	sadd.s32 s5, s7;
	s7 =	simm.s32 $0x3;
	s9 =	simm.s32 $0x1900  }
0xd: {  	v0 =	vimm.f32 $0.0e+00;
	s4 =	sadd.s32 s4, s8;
	s6 =	smax.u32 s6, $0x1;
	s8 =	simm.s32 $0x80  }
.LBB2_14:
0xe: {  	s19 =	sadd.s32 $0x1, s19  }
0xf: {  	p0 =	sne.s32 s19, s6  }
.Ltmp1:
0x10: {  	_ = 	snop;
	(pc) =	sbr.rel @!p0 .LBB2_15-.Ltmp1, $4  }
0x11: {  	[hbm4b:s5+s2] =	stream.linear.scatter [tilespmem:s17], [sflag:$0x3], $0x1000, $0x38;
	[tilespmem:$0x8D00] =	vst v63  }
0x12: {  	_ =	swait.ge [sflag:s7], $0x1000  }
0x13: {  	[sflag:s7] =	ssyncset.done $0x0  }
0x14: {  	[sflag:s7] =	ssyncadd.s32 $0xFFFFF000  }
.LBB2_1:
0x15: {  	[tilespmem:s2], [sflag:$0x3] =	stream.linear.gather [hbm4b:s4+s2], $0x1900, $0x38;
	[tilespmem:$0x8D00] =	vst v63  }
0x16: {  	_ =	swait.ge [sflag:s7], $0x1900  }
0x17: {  	[sflag:s7] =	ssyncset.done $0x0  }
0x18: {  	[sflag:s7] =	ssyncadd.s32 $0xFFFFE700  }
0x19: {  	[tilespmem:s9], [sflag:$0x1] =	stream.indirect.gather [hbm4b:s3+s8], $0x40, s2, s8, $0xb8;
	[tilespmem:$0x8D00] =	vst v63  }
0x1a: {  	_ = 	snop  }
0x1b: {  	[tilespmem:s11], [sflag:$0x1] =	stream.indirect.gather [hbm4b:s3+s10], $0x40, s8, s10, $0xb8;
	[tilespmem:$0x8D00] =	vst v63  }
.Ltmp2:
0x1c: {  	_ = 	snop;
	(pc) =	sbr.rel .LBB2_2-.Ltmp2, $4  }
0x1d: {  	_ = 	snop  }
0x1e: {  	[tilespmem:s13], [sflag:$0x2] =	stream.indirect.gather [hbm4b:s3+s8], $0x40, s12, s8, $0xb8;
	[tilespmem:$0x8D00] =	vst v63  }
0x1f: {  	s20 =	simm.s32 $0x0  }
0x20: {  	[tilespmem:s15], [sflag:$0x2] =	stream.indirect.gather [hbm4b:s3+s10], $0x40, s14, s10, $0xb8;
	[tilespmem:$0x8D00] =	vst v63  }
.LBB2_12:
0x21: {  	v4 =	vadd.f32 v4, v11;
	v5 =	vadd.f32 v5, v13;
	s21 =	sshll.u32 s20, $0x7  }
0x22: {  	v7 =	vadd.f32 v7, v12;
	v8 =	vadd.f32 v8, v14;
	s21 =	sand.u32 $0x3FFFFF80, s21  }
0x23: {  	v1 =	vadd.f32 v1, v4;
	v63 =	vadd.f32 v3, v5;
	[tilespmem:s21+$0x7D40] =	vst v0  }
0x24: {  	v7 =	vadd.f32 v9, v7;
	v3 =	vadd.f32 v6, v8;
	[tilespmem:s21+$0x7D50] =	vst v0  }
0x25: {  	[tilespmem:s21+$0x7D60] =	vst v0;
	v2 =	vadd.f32 v2, v1;
	v4 =	vmul.f32 $4.999999890e-03, v63  }
0x26: {  	p0 =	slt.u32 s20, $0x1E;
	[tilespmem:s21+$0x7D70] =	vst v0;
	v1 =	vadd.f32 v10, v7;
	v3 =	vmul.f32 $4.999999890e-03, v3  }
0x27: {  	s22 =	smul.u32 @p0 $0x320, s20;
	[tilespmem:s21+$0x7D00] =	vst v4;
	v2 =	vmul.f32 $4.999999890e-03, v2  }
0x28: {  	[tilespmem:s21+$0x7D10] =	vst v3;
	v1 =	vmul.f32 $4.999999890e-03, v1  }
0x29: {  	s22 =	sshra.s32 @p0 s22, $0x2;
	[tilespmem:s21+$0x7D20] =	vst v2  }
0x2a: {  	s23 =	simm.s32 @p0 $0x80;
	s24 =	simm.s32 @p0 $0x4B00;
	[tilespmem:s21+$0x7D30] =	vst v1;
	s21 =	sadd.s32 @p0 $0x190, s22  }
0x2b: {  	[tilespmem:s24], [sflag:$0x2] =	stream.indirect.gather @p0 [hbm4b:s3+s23], $0x40, s21, s23, $0xb8;
	[tilespmem:$0x8D00] =	vst v63  }
0x2c: {  	s21 =	sadd.s32 @p0 $0x210, s22;
	s22 =	simm.s32 @p0 $0x48;
	s23 =	simm.s32 @p0 $0x6B00  }
0x2d: {  	[tilespmem:s23], [sflag:$0x2] =	stream.indirect.gather @p0 [hbm4b:s3+s22], $0x40, s21, s22, $0xb8;
	[tilespmem:$0x8D00] =	vst v63  }
.LBB2_13:
0x2e: {  	s20 =	sadd.s32 $0x1, s20  }
0x2f: {  	p0 =	sne.s32 s20, $0x20  }
.Ltmp3:
0x30: {  	_ = 	snop;
	(pc) =	sbr.rel @!p0 .LBB2_14-.Ltmp3, $1  }
0x31: {  	_ =	sdelay $0x3  }
.LBB2_2:
0x32: {  	s21 =	sand.u32 $0x1, s20  }
0x33: {  	p0 =	seq.s32 s21, $0x1  }
.Ltmp4:
0x34: {  	_ = 	snop;
	(pc) =	sbr.rel @p0 .LBB2_8-.Ltmp4, $1  }
0x35: {  	_ =	sdelay $0x3  }
0x36: {  	_ =	swait.ge [sflag:s16], $0x2000  }
0x37: {  	[sflag:s16] =	ssyncset.done $0x0  }
0x38: {  	[sflag:s16] =	ssyncadd.s32 $0xFFFFE000  }
0x39: {  	_ =	swait.ge [sflag:s16], $0x1200  }
0x3a: {  	[sflag:s16] =	ssyncset.done $0x0  }
0x3b: {  	s21 =	simm.s32 $0x1980;
	[sflag:s16] =	ssyncadd.s32 $0xFFFFEE00  }
0x3c: {  	v1 =	vld [tilespmem:s21+$0x40]  }
0x3d: {  	v2 =	vld [tilespmem:s21+$0x50]  }
0x3e: {  	v4 =	vld [tilespmem:s21+$0x0]  }
0x3f: {  	v7 =	vld [tilespmem:s21+$0x10]  }
0x40: {  	v3 =	vld [tilespmem:s21+$0xFFFFFFC0]  }
0x41: {  	v5 =	vld [tilespmem:s21+$0xFFFFFFD0]  }
0x42: {  	v6 =	vld [tilespmem:s21+$0xFFFFFF80]  }
0x43: {  	v8 =	vld [tilespmem:s21+$0xFFFFFF90]  }
0x44: {  	v10 =	vld [tilespmem:s21+$0xFFFFFFA0]  }
0x45: {  	v13 =	vld [tilespmem:s21+$0xFFFFFFB0]  }
0x46: {  	v12 =	vld [tilespmem:s21+$0xFFFFFFE0]  }
0x47: {  	v14 =	vld [tilespmem:s21+$0xFFFFFFF0]  }
0x48: {  	v16 =	vimm.f32 $0.0e+00;
	v9 =	vld [tilespmem:s21+$0x20]  }
0x49: {  	v11 =	vld [tilespmem:s21+$0x30];
	v6 =	vadd.f32 v6, v16;
	v8 =	vadd.f32 v8, v16  }
0x4a: {  	v15 =	vadd.f32 v10, v16;
	v16 =	vadd.f32 v13, v16;
	v10 =	vld [tilespmem:s21+$0x60]  }
0x4b: {  	s22 =	simm.s32 $0x0;
	s23 =	simm.s32 $0x1A80;
	v13 =	vld [tilespmem:s21+$0x70];
	v17 =	vadd.f32 v3, v6;
	v18 =	vadd.f32 v5, v8  }
.LBB2_4:
0x4c: {  	v3 =	vld [tilespmem:s23+$0x40];
	v5 =	vadd.f32 v12, v15;
	v6 =	vadd.f32 v14, v16  }
0x4d: {  	v8 =	vld [tilespmem:s23+$0x50];
	v12 =	vadd.f32 v4, v17;
	v14 =	vadd.f32 v7, v18  }
0x4e: {  	v4 =	vld [tilespmem:s23+$0x0];
	v5 =	vadd.f32 v9, v5;
	v6 =	vadd.f32 v11, v6  }
0x4f: {  	v7 =	vld [tilespmem:s23+$0x10];
	v11 =	vadd.f32 v1, v12;
	v15 =	vadd.f32 v2, v14  }
0x50: {  	s21 =	simm.s32 $0x3980;
	v17 =	vld [tilespmem:s23+$0xFFFFFFC0];
	v5 =	vadd.f32 v10, v5;
	v6 =	vadd.f32 v13, v6  }
0x51: {  	v13 =	vld [tilespmem:s23+$0xFFFFFFD0];
	v1 =	vmov v3  }
0x52: {  	v3 =	vld [tilespmem:s23+$0xFFFFFF80];
	v2 =	vmov v8  }
0x53: {  	v8 =	vld [tilespmem:s23+$0xFFFFFF90]  }
0x54: {  	v10 =	vld [tilespmem:s23+$0xFFFFFFA0]  }
0x55: {  	s22 =	sadd.s32 $0x4, s22;
	v16 =	vld [tilespmem:s23+$0xFFFFFFB0]  }
0x56: {  	p0 =	slt.u32 s22, $0x7C;
	v12 =	vld [tilespmem:s23+$0xFFFFFFE0]  }
.Ltmp5:
0x57: {  	v14 =	vld [tilespmem:s23+$0xFFFFFFF0];
	(pc) =	sbr.rel @p0 .LBB2_4-.Ltmp5, $4  }
0x58: {  	v9 =	vld [tilespmem:s23+$0x20]  }
0x59: {  	v3 =	vadd.f32 v3, v11;
	v8 =	vadd.f32 v8, v15;
	v11 =	vld [tilespmem:s23+$0x30]  }
0x5a: {  	v15 =	vadd.f32 v10, v5;
	v16 =	vadd.f32 v16, v6;
	v10 =	vld [tilespmem:s23+$0x60]  }
0x5b: {  	v17 =	vadd.f32 v17, v3;
	v18 =	vadd.f32 v13, v8;
	v13 =	vld [tilespmem:s23+$0x70];
	s23 =	sadd.s32 $0x100, s23  }
0x5c: {  	v3 =	vld [tilespmem:s21+$0x40]  }
0x5d: {  	v6 =	vld [tilespmem:s21+$0x50]  }
0x5e: {  	v5 =	vld [tilespmem:s21+$0x0]  }
0x5f: {  	v8 =	vld [tilespmem:s21+$0x10]  }
0x60: {  	v19 =	vld [tilespmem:s21+$0xFFFFFFC0]  }
0x61: {  	v20 =	vld [tilespmem:s21+$0xFFFFFFD0]  }
0x62: {  	v21 =	vld [tilespmem:s21+$0xFFFFFF80]  }
0x63: {  	v22 =	vld [tilespmem:s21+$0xFFFFFF90]  }
0x64: {  	v12 =	vadd.f32 v12, v15;
	v14 =	vadd.f32 v14, v16;
	v15 =	vld [tilespmem:s21+$0xFFFFFFA0]  }
0x65: {  	v62 =	vld [tilespmem:s21+$0xFFFFFFB0];
	v61 =	vadd.f32 v4, v17;
	v7 =	vadd.f32 v7, v18  }
0x66: {  	v4 =	vld [tilespmem:s21+$0xFFFFFFE0];
	v9 =	vadd.f32 v9, v12;
	v11 =	vadd.f32 v11, v14  }
0x67: {  	v12 =	vadd.f32 v1, v61;
	v2 =	vadd.f32 v2, v7;
	v7 =	vld [tilespmem:s21+$0xFFFFFFF0]  }
0x68: {  	v1 =	vld [tilespmem:s21+$0x20];
	v10 =	vadd.f32 v10, v9;
	v13 =	vadd.f32 v13, v11  }
0x69: {  	v9 =	vld [tilespmem:s21+$0x30];
	v14 =	vadd.f32 v21, v12;
	v63 =	vadd.f32 v22, v2  }
0x6a: {  	v2 =	vld [tilespmem:s21+$0x60];
	v11 =	vadd.f32 v15, v10;
	v12 =	vadd.f32 v62, v13  }
0x6b: {  	s22 =	simm.s32 $0x0;
	v10 =	vld [tilespmem:s21+$0x70];
	s21 =	simm.s32 $0x3A80;
	v13 =	vadd.f32 v19, v14;
	v14 =	vadd.f32 v20, v63  }
.LBB2_6:
0x6c: {  	v15 =	vld [tilespmem:s21+$0x40];
	v4 =	vadd.f32 v4, v11;
	v7 =	vadd.f32 v7, v12  }
0x6d: {  	v11 =	vld [tilespmem:s21+$0x50];
	v12 =	vadd.f32 v5, v13;
	v13 =	vadd.f32 v8, v14  }
0x6e: {  	v5 =	vld [tilespmem:s21+$0x0];
	v1 =	vadd.f32 v1, v4;
	v4 =	vadd.f32 v9, v7  }
0x6f: {  	v8 =	vld [tilespmem:s21+$0x10];
	v9 =	vadd.f32 v3, v12;
	v12 =	vadd.f32 v6, v13  }
0x70: {  	v13 =	vld [tilespmem:s21+$0xFFFFFFC0];
	v2 =	vadd.f32 v2, v1;
	v10 =	vadd.f32 v10, v4  }
0x71: {  	v14 =	vld [tilespmem:s21+$0xFFFFFFD0];
	v3 =	vmov v15  }
0x72: {  	v15 =	vld [tilespmem:s21+$0xFFFFFF80];
	v6 =	vmov v11  }
0x73: {  	v11 =	vld [tilespmem:s21+$0xFFFFFF90]  }
0x74: {  	v16 =	vld [tilespmem:s21+$0xFFFFFFA0]  }
0x75: {  	s22 =	sadd.s32 $0x4, s22;
	v17 =	vld [tilespmem:s21+$0xFFFFFFB0]  }
0x76: {  	p0 =	slt.u32 s22, $0x44;
	v4 =	vld [tilespmem:s21+$0xFFFFFFE0]  }
.Ltmp6:
0x77: {  	v7 =	vld [tilespmem:s21+$0xFFFFFFF0];
	(pc) =	sbr.rel @p0 .LBB2_6-.Ltmp6, $4  }
0x78: {  	v1 =	vld [tilespmem:s21+$0x20]  }
0x79: {  	v15 =	vadd.f32 v15, v9;
	v18 =	vadd.f32 v11, v12;
	v9 =	vld [tilespmem:s21+$0x30]  }
0x7a: {  	v11 =	vadd.f32 v16, v2;
	v12 =	vadd.f32 v17, v10;
	v2 =	vld [tilespmem:s21+$0x60]  }
0x7b: {  	v13 =	vadd.f32 v13, v15;
	v14 =	vadd.f32 v14, v18;
	v10 =	vld [tilespmem:s21+$0x70];
	s21 =	sadd.s32 $0x100, s21  }
0x7c: {  	_ = 	snop  }
0x7d: {  	v4 =	vadd.f32 v4, v11;
	s21 =	sshll.u32 s20, $0x7;
	v5 =	vadd.f32 v5, v13  }
0x7e: {  	v7 =	vadd.f32 v7, v12;
	v8 =	vadd.f32 v8, v14;
	s21 =	sand.u32 $0x3FFFFF80, s21  }
0x7f: {  	v1 =	vadd.f32 v1, v4;
	[tilespmem:s21+$0x7D40] =	vst v0;
	v63 =	vadd.f32 v3, v5  }
0x80: {  	v7 =	vadd.f32 v9, v7;
	[tilespmem:s21+$0x7D50] =	vst v0;
	v3 =	vadd.f32 v6, v8  }
0x81: {  	[tilespmem:s21+$0x7D60] =	vst v0;
	v2 =	vadd.f32 v2, v1;
	v4 =	vmul.f32 $4.999999890e-03, v63  }
0x82: {  	p0 =	slt.u32 s20, $0x1E;
	[tilespmem:s21+$0x7D70] =	vst v0;
	v1 =	vadd.f32 v10, v7;
	v3 =	vmul.f32 $4.999999890e-03, v3  }
0x83: {  	s22 =	smul.u32 @p0 $0x320, s20;
	v2 =	vmul.f32 $4.999999890e-03, v2;
	[tilespmem:s21+$0x7D00] =	vst v4  }
0x84: {  	v1 =	vmul.f32 $4.999999890e-03, v1;
	[tilespmem:s21+$0x7D10] =	vst v3  }
.Ltmp7:
0x85: {  	s22 =	sshra.s32 @p0 s22, $0x2;
	[tilespmem:s21+$0x7D20] =	vst v2;
	(pc) =	sbr.rel .LBB2_13-.Ltmp7, $4  }
0x86: {  	s23 =	simm.s32 @p0 $0x80;
	s24 =	simm.s32 @p0 $0x1900;
	[tilespmem:s21+$0x7D30] =	vst v1;
	s21 =	sadd.s32 @p0 $0x190, s22  }
0x87: {  	[tilespmem:s24], [sflag:$0x1] =	stream.indirect.gather @p0 [hbm4b:s3+s23], $0x40, s21, s23, $0xb8;
	[tilespmem:$0x8D00] =	vst v63  }
0x88: {  	s21 =	sadd.s32 @p0 $0x210, s22;
	s22 =	simm.s32 @p0 $0x48;
	s23 =	simm.s32 @p0 $0x3900  }
0x89: {  	[tilespmem:s23], [sflag:$0x1] =	stream.indirect.gather @p0 [hbm4b:s3+s22], $0x40, s21, s22, $0xb8;
	[tilespmem:$0x8D00] =	vst v63  }
.LBB2_8:
0x8a: {  	_ =	swait.ge [sflag:s18], $0x2000  }
0x8b: {  	[sflag:s18] =	ssyncset.done $0x0  }
0x8c: {  	[sflag:s18] =	ssyncadd.s32 $0xFFFFE000  }
0x8d: {  	_ =	swait.ge [sflag:s18], $0x1200  }
0x8e: {  	[sflag:s18] =	ssyncset.done $0x0  }
0x8f: {  	s21 =	simm.s32 $0x4B80;
	[sflag:s18] =	ssyncadd.s32 $0xFFFFEE00  }
0x90: {  	v1 =	vld [tilespmem:s21+$0x40]  }
0x91: {  	v2 =	vld [tilespmem:s21+$0x50]  }
0x92: {  	v4 =	vld [tilespmem:s21+$0x0]  }
0x93: {  	v7 =	vld [tilespmem:s21+$0x10]  }
0x94: {  	v3 =	vld [tilespmem:s21+$0xFFFFFFC0]  }
0x95: {  	v5 =	vld [tilespmem:s21+$0xFFFFFFD0]  }
0x96: {  	v6 =	vld [tilespmem:s21+$0xFFFFFF80]  }
0x97: {  	v8 =	vld [tilespmem:s21+$0xFFFFFF90]  }
0x98: {  	v10 =	vld [tilespmem:s21+$0xFFFFFFA0]  }
0x99: {  	v13 =	vld [tilespmem:s21+$0xFFFFFFB0]  }
0x9a: {  	v12 =	vld [tilespmem:s21+$0xFFFFFFE0]  }
0x9b: {  	v14 =	vld [tilespmem:s21+$0xFFFFFFF0]  }
0x9c: {  	v16 =	vimm.f32 $0.0e+00;
	v9 =	vld [tilespmem:s21+$0x20]  }
0x9d: {  	v11 =	vld [tilespmem:s21+$0x30];
	v6 =	vadd.f32 v6, v16;
	v8 =	vadd.f32 v8, v16  }
0x9e: {  	v15 =	vadd.f32 v10, v16;
	v16 =	vadd.f32 v13, v16;
	v10 =	vld [tilespmem:s21+$0x60]  }
0x9f: {  	s22 =	simm.s32 $0x0;
	s23 =	simm.s32 $0x4C80;
	v13 =	vld [tilespmem:s21+$0x70];
	v17 =	vadd.f32 v3, v6;
	v18 =	vadd.f32 v5, v8  }
.LBB2_9:
0xa0: {  	v3 =	vld [tilespmem:s23+$0x40];
	v5 =	vadd.f32 v12, v15;
	v6 =	vadd.f32 v14, v16  }
0xa1: {  	v8 =	vld [tilespmem:s23+$0x50];
	v12 =	vadd.f32 v4, v17;
	v14 =	vadd.f32 v7, v18  }
0xa2: {  	v4 =	vld [tilespmem:s23+$0x0];
	v5 =	vadd.f32 v9, v5;
	v6 =	vadd.f32 v11, v6  }
0xa3: {  	v7 =	vld [tilespmem:s23+$0x10];
	v11 =	vadd.f32 v1, v12;
	v15 =	vadd.f32 v2, v14  }
0xa4: {  	s21 =	simm.s32 $0x6B80;
	v17 =	vld [tilespmem:s23+$0xFFFFFFC0];
	v5 =	vadd.f32 v10, v5;
	v6 =	vadd.f32 v13, v6  }
0xa5: {  	v13 =	vld [tilespmem:s23+$0xFFFFFFD0];
	v1 =	vmov v3  }
0xa6: {  	v3 =	vld [tilespmem:s23+$0xFFFFFF80];
	v2 =	vmov v8  }
0xa7: {  	v8 =	vld [tilespmem:s23+$0xFFFFFF90]  }
0xa8: {  	v10 =	vld [tilespmem:s23+$0xFFFFFFA0]  }
0xa9: {  	s22 =	sadd.s32 $0x4, s22;
	v16 =	vld [tilespmem:s23+$0xFFFFFFB0]  }
0xaa: {  	p0 =	slt.u32 s22, $0x7C;
	v12 =	vld [tilespmem:s23+$0xFFFFFFE0]  }
.Ltmp8:
0xab: {  	v14 =	vld [tilespmem:s23+$0xFFFFFFF0];
	(pc) =	sbr.rel @p0 .LBB2_9-.Ltmp8, $4  }
0xac: {  	v9 =	vld [tilespmem:s23+$0x20]  }
0xad: {  	v3 =	vadd.f32 v3, v11;
	v8 =	vadd.f32 v8, v15;
	v11 =	vld [tilespmem:s23+$0x30]  }
0xae: {  	v15 =	vadd.f32 v10, v5;
	v16 =	vadd.f32 v16, v6;
	v10 =	vld [tilespmem:s23+$0x60]  }
0xaf: {  	v17 =	vadd.f32 v17, v3;
	v18 =	vadd.f32 v13, v8;
	v13 =	vld [tilespmem:s23+$0x70];
	s23 =	sadd.s32 $0x100, s23  }
0xb0: {  	v3 =	vld [tilespmem:s21+$0x40]  }
0xb1: {  	v6 =	vld [tilespmem:s21+$0x50]  }
0xb2: {  	v5 =	vld [tilespmem:s21+$0x0]  }
0xb3: {  	v8 =	vld [tilespmem:s21+$0x10]  }
0xb4: {  	v19 =	vld [tilespmem:s21+$0xFFFFFFC0]  }
0xb5: {  	v20 =	vld [tilespmem:s21+$0xFFFFFFD0]  }
0xb6: {  	v21 =	vld [tilespmem:s21+$0xFFFFFF80]  }
0xb7: {  	v22 =	vld [tilespmem:s21+$0xFFFFFF90]  }
0xb8: {  	v12 =	vadd.f32 v12, v15;
	v14 =	vadd.f32 v14, v16;
	v15 =	vld [tilespmem:s21+$0xFFFFFFA0]  }
0xb9: {  	v62 =	vld [tilespmem:s21+$0xFFFFFFB0];
	v61 =	vadd.f32 v4, v17;
	v7 =	vadd.f32 v7, v18  }
0xba: {  	v4 =	vld [tilespmem:s21+$0xFFFFFFE0];
	v9 =	vadd.f32 v9, v12;
	v11 =	vadd.f32 v11, v14  }
0xbb: {  	v12 =	vadd.f32 v1, v61;
	v2 =	vadd.f32 v2, v7;
	v7 =	vld [tilespmem:s21+$0xFFFFFFF0]  }
0xbc: {  	v1 =	vld [tilespmem:s21+$0x20];
	v10 =	vadd.f32 v10, v9;
	v13 =	vadd.f32 v13, v11  }
0xbd: {  	v9 =	vld [tilespmem:s21+$0x30];
	v14 =	vadd.f32 v21, v12;
	v63 =	vadd.f32 v22, v2  }
0xbe: {  	v2 =	vld [tilespmem:s21+$0x60];
	v11 =	vadd.f32 v15, v10;
	v12 =	vadd.f32 v62, v13  }
0xbf: {  	s22 =	simm.s32 $0x0;
	v10 =	vld [tilespmem:s21+$0x70];
	s21 =	simm.s32 $0x6C80;
	v13 =	vadd.f32 v19, v14;
	v14 =	vadd.f32 v20, v63  }
.LBB2_11:
0xc0: {  	v15 =	vld [tilespmem:s21+$0x40];
	v4 =	vadd.f32 v4, v11;
	v7 =	vadd.f32 v7, v12  }
0xc1: {  	v12 =	vadd.f32 v5, v13;
	v13 =	vadd.f32 v8, v14;
	v11 =	vld [tilespmem:s21+$0x50]  }
0xc2: {  	v5 =	vld [tilespmem:s21+$0x0];
	v1 =	vadd.f32 v1, v4;
	v4 =	vadd.f32 v9, v7  }
0xc3: {  	v9 =	vadd.f32 v3, v12;
	v12 =	vadd.f32 v6, v13;
	v8 =	vld [tilespmem:s21+$0x10]  }
0xc4: {  	v13 =	vld [tilespmem:s21+$0xFFFFFFC0];
	v2 =	vadd.f32 v2, v1;
	v10 =	vadd.f32 v10, v4  }
0xc5: {  	v14 =	vld [tilespmem:s21+$0xFFFFFFD0];
	v3 =	vmov v15  }
0xc6: {  	v15 =	vld [tilespmem:s21+$0xFFFFFF80];
	v6 =	vmov v11  }
0xc7: {  	v11 =	vld [tilespmem:s21+$0xFFFFFF90]  }
0xc8: {  	v16 =	vld [tilespmem:s21+$0xFFFFFFA0]  }
0xc9: {  	s22 =	sadd.s32 $0x4, s22;
	v17 =	vld [tilespmem:s21+$0xFFFFFFB0]  }
0xca: {  	p0 =	slt.u32 s22, $0x44;
	v4 =	vld [tilespmem:s21+$0xFFFFFFE0]  }
.Ltmp9:
0xcb: {  	v7 =	vld [tilespmem:s21+$0xFFFFFFF0];
	(pc) =	sbr.rel @p0 .LBB2_11-.Ltmp9, $4  }
0xcc: {  	v1 =	vld [tilespmem:s21+$0x20]  }
0xcd: {  	v15 =	vadd.f32 v15, v9;
	v18 =	vadd.f32 v11, v12;
	v9 =	vld [tilespmem:s21+$0x30]  }
0xce: {  	v11 =	vadd.f32 v16, v2;
	v12 =	vadd.f32 v17, v10;
	v2 =	vld [tilespmem:s21+$0x60]  }
0xcf: {  	v13 =	vadd.f32 v13, v15;
	v14 =	vadd.f32 v14, v18;
	v10 =	vld [tilespmem:s21+$0x70];
	s21 =	sadd.s32 $0x100, s21  }
.Ltmp10:
0xd0: {  	_ = 	snop;
	(pc) =	sbr.rel .LBB2_12-.Ltmp10, $1  }
0xd1: {  	_ =	sdelay $0x3  }
.LBB2_15:
0xd2: {  	_ =	sfence.sel $0x180000  }
0xd3: {  	[bflag:$0x0] =	sbarrier.arrive $0xFFFF  }
0xd4: {  	p0 =	sne.s32 s0, $0x0;
	_ =	strace $0x90000047  }
0xd5: {  	s0 =	sadd.s32 @!p0 $0x100000, s1;
	[bflag:$0x2] =	sbarrier.arrive $0xFFFF  }
0xd6: {  	[sflag:s0] =	ssyncadd.tile.s32 @!p0 $0x1;
	_ =	shalt  }
.Lfunc_end2:
_tile_overlayer_lowered:
.L_overlay_start_2:
0xd7: {  	(tag) =	ssettag $0x2  }
0xd8: {  	s0 =	rddreg [dreg:$0x0];
	s2 =	stileid.u32  }
0xd9: {  	s1 =	rddreg [dreg:$0x1];
	p0 =	sne.s32 s2, $0x0  }
0xda: {  	s3 =	rddreg [dreg:$0x2];
	[bflag:$0x3] =	sbarrier.arrive $0xFFFF;
	s2 =	simm.s32 @!p0 $0x1C03  }
0xdb: {  	[timem:s3], [sflag:s2] =	dma.local @!p0 [hbm:s0], s1  }
0xdc: {  	s0 =	simm.s32 @!p0 $0x3  }
0xdd: {  	_ =	swait.ge @!p0 [sflag:s0], s1  }
0xde: {  	s1 =	ssub.s32 @!p0 $0x0, s1;
	[sflag:s0] =	ssyncset.done @!p0 $0x0  }
0xdf: {  	[sflag:s0] =	ssyncadd.s32 @!p0 s1  }
0xe0: {  	[bflag:$0x3] =	sbarrier.arrive $0xFFFF  }
0xe1: {  	_ =	shalt  }

</sc_bundles>
